<compile_context>
chip_gen: v7x
topology: tpu7x:2x2x1
jax: 0.10.2.dev20260603
libtpu: 0.0.44.dev20260713+nightly
codegen_flags: <defaults>
</compile_context>

<pallas_src>
import functools

import jax
import jax.numpy as jnp
from jax import lax
from jax.experimental import pallas as pl
from jax.experimental.pallas import tpu as pltpu
from jax.experimental.pallas import tpu_sc as plsc

_D = 32
_LP = 56
_PK = 8
_BM = 128
_RPB = _BM * _LP // _PK

_NW = 32


def _transpose_pad_table(tab):
    tab_t = tab.T
    n = tab_t.shape[1]
    bw = 4096

    def body(x_ref, o_ref):
        y = x_ref[...].T
        o_ref[...] = jnp.concatenate(
            [y, jnp.zeros((y.shape[0], 96), jnp.float32)], axis=1)

    return pl.pallas_call(
        body,
        grid=(pl.cdiv(n, bw),),
        in_specs=[pl.BlockSpec((32, bw), lambda i: (0, i))],
        out_specs=pl.BlockSpec((bw, 128), lambda i: (i, 0)),
        out_shape=jax.ShapeDtypeStruct((n, 128), jnp.float32),
    )(tab_t)


def _sc_gather(hist2d4, v2e_rows):
    nrow = hist2d4.shape[0]
    rw = nrow // _NW
    d = 32
    mesh = plsc.VectorSubcoreMesh(core_axis_name="c", subcore_axis_name="s")
    kbuf = 2
    assert rw % kbuf == 0

    @functools.partial(
        pl.kernel,
        out_type=jax.ShapeDtypeStruct((nrow * 128, d), jnp.float32),
        mesh=mesh,
        scratch_types=[
            pltpu.VMEM((rw, 128), jnp.int32),
            [pltpu.VMEM((128, d), jnp.float32) for _ in range(kbuf)],
            [pltpu.SemaphoreType.DMA for _ in range(kbuf)],
            [pltpu.SemaphoreType.DMA for _ in range(kbuf)],
        ],
        compiler_params=pltpu.CompilerParams(use_tc_tiling_on_sc=False),
    )
    def k(hist_hbm, v2e_hbm, euv_out, idx_v, bufs, gsems, wsems):
        wid = lax.axis_index("s") * 2 + lax.axis_index("c")
        pltpu.sync_copy(hist_hbm.at[pl.ds(wid * rw, rw), :], idx_v)

        def group(g, carry):
            c0 = g * kbuf
            for b in range(kbuf):
                pltpu.async_copy(v2e_hbm.at[idx_v.at[c0 + b]], bufs[b],
                                 gsems[b])
            for b in range(kbuf):
                base = (wid * rw + c0 + b) * 128
                pltpu.make_async_copy(v2e_hbm.at[idx_v.at[c0 + b]], bufs[b],
                                      gsems[b]).wait()
                pltpu.async_copy(bufs[b], euv_out.at[pl.ds(base, 128), :],
                                 wsems[b])
            for b in range(kbuf):
                base = (wid * rw + c0 + b) * 128
                pltpu.make_async_copy(bufs[b], euv_out.at[pl.ds(base, 128), :],
                                      wsems[b]).wait()
            return carry

        lax.fori_loop(0, rw // kbuf, group, 0)

    return k(hist2d4, v2e_rows)


def _tc_body(ep_ref, hr_ref, uv_ref, w1_ref, w2_ref, wa1_ref, wa2_ref,
             w3_ref, b1_ref, b2_ref, ba1_ref, ba2_ref, r1rt_ref, t8_ref,
             tsum_ref, ttile_ref, wa1b_ref, rep7_ref, rep7t_ref, out_ref):
    f32 = jnp.float32
    dot = functools.partial(jnp.dot, preferred_element_type=f32)
    e = ep_ref[...].astype(f32)
    t8 = t8_ref[...]
    hre = dot(hr_ref[...], t8)
    r1rt = r1rt_ref[...]
    er = jnp.where(hre == 0., r1rt[0:1],
         jnp.where(hre == 1., r1rt[1:2],
         jnp.where(hre == 2., r1rt[2:3],
         jnp.where(hre == 3., r1rt[3:4], r1rt[4:5]))))
    bf16 = jnp.bfloat16
    x = jnp.maximum(dot(e.astype(bf16), w1_ref[...]) + er + b1_ref[...], 0.)
    o = jnp.maximum(dot(x.astype(bf16), w2_ref[...]) + b2_ref[...], 0.)
    uvp = dot(dot(uv_ref[...], wa1b_ref[...]), ttile_ref[...])
    uvr = dot(rep7_ref[...], uvp)
    a1 = jnp.maximum(dot(o.astype(bf16), wa1_ref[...]) + uvr + ba1_ref[...],
                     0.)
    a2 = jnp.maximum(dot(a1.astype(bf16), wa2_ref[...]) + ba2_ref[...], 0.)
    lg8 = dot(a2, w3_ref[...])
    ri = lax.broadcasted_iota(jnp.int32, lg8.shape, 0)
    li = lax.broadcasted_iota(jnp.int32, lg8.shape, 1)
    valid = ((ri % 7) < 6) | (li < 2)
    lgm = jnp.where(valid, lg8, -1e30)
    e8 = jnp.exp(lgm - jnp.max(lgm))
    s8 = dot(rep7t_ref[...], e8)
    sinv = 1. / jnp.sum(s8, axis=1, keepdims=True)
    att8 = e8 * dot(rep7_ref[...], sinv)
    p = o * dot(att8, t8)
    cs = dot(p, tsum_ref[...])
    out_ref[...] = dot(rep7t_ref[...], cs)


def _tc_compute(ep, hr8, uv_rep, w1, w2, wa1, wa2, w3, b1, b2, ba1, ba2,
                r1rt, t8, tsum, ttile, wa1b, rep7, rep7t):
    nblk = uv_rep.shape[0] // _BM
    full = lambda a: pl.BlockSpec(a.shape, lambda i: (0,) * a.ndim)
    return pl.pallas_call(
        _tc_body,
        grid=(nblk,),
        in_specs=[
            pl.BlockSpec((_RPB, 256), lambda i: (i, 0)),
            pl.BlockSpec((_RPB, 8), lambda i: (i, 0)),
            pl.BlockSpec((_BM, _D), lambda i: (i, 0)),
            full(w1), full(w2), full(wa1), full(wa2), full(w3),
            full(b1), full(b2), full(ba1), full(ba2), full(r1rt),
            full(t8), full(tsum), full(ttile), full(wa1b),
            full(rep7), full(rep7t),
        ],
        out_specs=pl.BlockSpec((_BM, _D), lambda i: (i, 0)),
        out_shape=jax.ShapeDtypeStruct((uv_rep.shape[0], _D), jnp.float32),
    )(ep, hr8, uv_rep, w1, w2, wa1, wa2, w3, b1, b2, ba1, ba2,
      r1rt, t8, tsum, ttile, wa1b, rep7, rep7t)


def kernel(nodes, history_uv, history_r, v2e, u2e, r2e, w_r1, b_r1, w_r2,
           b_r2, att_w1, att_b1, att_w2, att_b2, att_w3, att_b3):
    f32 = jnp.float32
    b, l = history_uv.shape
    d = v2e.shape[1]
    hist = jnp.pad(history_uv, ((0, 0), (0, _LP - l))).astype(jnp.int32)
    hr = jnp.pad(history_r, ((0, 0), (0, _LP - l)))
    hist2d4 = (hist.reshape(b * _LP // 128, 128) * 4).astype(jnp.int32)
    v2e_p = _transpose_pad_table(v2e)
    e_uv = _sc_gather(hist2d4, v2e_p.reshape(-1, 32))
    uv_rep = jnp.take(u2e, nodes, axis=0)
    ep = e_uv.reshape(b * _LP // _PK, _PK * d)
    hr8 = hr.reshape(b * _LP // _PK, _PK).astype(f32)
    eye8 = jnp.eye(_PK, dtype=f32)
    w1 = jnp.kron(eye8, w_r1[:d]).astype(jnp.bfloat16)
    w2 = jnp.kron(eye8, w_r2).astype(jnp.bfloat16)
    wa1 = jnp.kron(eye8, att_w1[:d]).astype(jnp.bfloat16)
    wa2 = jnp.kron(eye8, att_w2).astype(jnp.bfloat16)
    w3 = jnp.kron(eye8, att_w3)
    b1t = jnp.tile(b_r1, _PK)[None, :]
    b2t = jnp.tile(b_r2, _PK)[None, :]
    ba1t = jnp.tile(att_b1, _PK)[None, :]
    ba2t = jnp.tile(att_b2, _PK)[None, :]
    r1rt = jnp.tile(r2e @ w_r1[d:], (1, _PK))
    t8 = jnp.kron(eye8, jnp.ones((1, d), f32))
    tsum = jnp.kron(jnp.ones((_PK, 1), f32), jnp.eye(d, dtype=f32))
    ttile = tsum.T
    rep7 = (jnp.arange(_BM * _LP // _PK)[:, None] // (_LP // _PK)
            == jnp.arange(_BM)[None, :]).astype(f32)
    return _tc_compute(ep, hr8, uv_rep, w1, w2, wa1, wa2, w3,
                       b1t, b2t, ba1t, ba2t, r1rt, t8, tsum, ttile,
                       att_w1[d:], rep7, rep7.T)

# --- scband reference (transcript-rebuilt; emitter-appended) ---
"""Pipeline reference for scband-uv-aggregator-33363305955573 (READ-ONLY COPY).

The authoritative reference and input builder live on the scoring server;
editing this copy changes nothing except your own understanding.
"""

import jax, jax.numpy as jnp
import numpy as np

B, L, D = 4096, 50, 32
N_ITEMS = 1000000
N_USERS = 1000000
N_RATINGS = 5

def setup_inputs(seed: int = 0):
    key = jax.random.key(seed)
    ks = jax.random.split(key, 16)
    s = 1.0 / np.sqrt(D)
    inp = {}
    inp['nodes'] = jax.random.randint(ks[0], (B,), 0, N_USERS)
    inp['history_uv'] = jax.random.randint(ks[1], (B, L), 0, N_ITEMS)
    inp['history_r'] = jax.random.randint(ks[2], (B, L), 0, N_RATINGS)
    inp['v2e'] = jax.random.normal(ks[3], (N_ITEMS, D), jnp.float32) * 0.05
    inp['u2e'] = jax.random.normal(ks[4], (N_USERS, D), jnp.float32) * 0.05
    inp['r2e'] = jax.random.normal(ks[5], (N_RATINGS, D), jnp.float32) * 0.05
    inp['w_r1'] = jax.random.normal(ks[6], (2 * D, D), jnp.float32) * s
    inp['b_r1'] = jnp.zeros((D,), jnp.float32)
    inp['w_r2'] = jax.random.normal(ks[7], (D, D), jnp.float32) * s
    inp['b_r2'] = jnp.zeros((D,), jnp.float32)
    inp['att_w1'] = jax.random.normal(ks[8], (2 * D, D), jnp.float32) * s
    inp['att_b1'] = jnp.zeros((D,), jnp.float32)
    inp['att_w2'] = jax.random.normal(ks[9], (D, D), jnp.float32) * s
    inp['att_b2'] = jnp.zeros((D,), jnp.float32)
    inp['att_w3'] = jax.random.normal(ks[10], (D, 1), jnp.float32) * s
    inp['att_b3'] = jnp.zeros((1,), jnp.float32)
    return inp

def reference(nodes, history_uv, history_r, v2e, u2e, r2e, w_r1, b_r1, w_r2, b_r2, att_w1, att_b1, att_w2, att_b2, att_w3, att_b3):
    # uv=True: gather item embeddings for history, user embedding for the node
    e_uv = jnp.take(v2e, history_uv, axis=0)           # [B, L, D]
    uv_rep = jnp.take(u2e, nodes, axis=0)              # [B, D]
    e_r = jnp.take(r2e, history_r, axis=0)             # [B, L, D]
    x = jnp.concatenate([e_uv, e_r], axis=-1)          # [B, L, 2D]
    x = jax.nn.relu(x @ w_r1 + b_r1)                   # w_r1
    o_history = jax.nn.relu(x @ w_r2 + b_r2)           # [B, L, D]
    # Attention(embed_dim): softmax over the history dimension per node
    uv_b = jnp.broadcast_to(uv_rep[:, None, :], o_history.shape)
    a = jnp.concatenate([o_history, uv_b], axis=-1)    # [B, L, 2D]
    a = jax.nn.relu(a @ att_w1 + att_b1)
    a = jax.nn.relu(a @ att_w2 + att_b2)
    a = a @ att_w3 + att_b3                            # [B, L, 1]
    att_w = jax.nn.softmax(a, axis=1)
    # att_history = o_history^T @ att_w, then transpose -> weighted sum over history
    to_feats = jnp.sum(o_history * att_w, axis=1)      # [B, D]
    return to_feats

if __name__ == "__main__":
    import jax
    _d = setup_inputs()
    print(jax.jit(kernel)(*tuple(_d.values())))

</pallas_src>

<mosaic_0001>
#map = affine_map<(d0, d1) -> (0, 0)>
module attributes {stable_mosaic.version = 14 : i64} {
  func.func @k(%arg0: i32, %arg1: i32, %arg2: memref<1792x128xi32, #tpu.memory_space<hbm>>, %arg3: memref<4000000x32xf32, #tpu.memory_space<hbm>>, %arg4: memref<229376x32xf32, #tpu.memory_space<hbm>>, %arg5: memref<56x128xi32, #tpu.memory_space<vmem>>, %arg6: memref<128x32xf32, #tpu.memory_space<vmem>>, %arg7: memref<128x32xf32, #tpu.memory_space<vmem>>, %arg8: memref<!tpu.dma_semaphore, #tpu.memory_space<semaphore_mem>>, %arg9: memref<!tpu.dma_semaphore, #tpu.memory_space<semaphore_mem>>, %arg10: memref<!tpu.dma_semaphore, #tpu.memory_space<semaphore_mem>>, %arg11: memref<!tpu.dma_semaphore, #tpu.memory_space<semaphore_mem>>) attributes {dimension_semantics = [#tpu.dimension_semantics<core_parallel>, #tpu.dimension_semantics<subcore_parallel>], iteration_bounds = array<i64: 2, 16>, scalar_prefetch = 0 : i64, scratch_operands = 7 : i64, tpu.core_type = #tpu.core_type<sc_vector_subcore>, window_params = [{transform_indices = #map}, {transform_indices = #map}, {transform_indices = #map}]} {
    %mul3A = arith.constant 2 : i32
    %mul3A_0 = arith.muli %arg1, %mul3A : i32
    %add3A = arith.addi %mul3A_0, %arg0 : i32
    %mul3A_1 = arith.constant 56 : i32
    %mul3A_2 = arith.muli %add3A, %mul3A_1 : i32
    "tpu.region"() ({
      %run_scoped3A = tpu.sem_alloc : memref<!tpu.dma_semaphore, #tpu.memory_space<semaphore_mem>>
      %dma_start3A = arith.constant 0 : i32
      %dma_start3A_8 = tpu.memref_slice %arg2[%mul3A_2, %dma_start3A] : memref<1792x128xi32, #tpu.memory_space<hbm>> -> memref<56x128xi32, #tpu.memory_space<hbm>>
      %dma_start3A_9 = arith.constant 0 : i32
      %dma_start3A_10 = tpu.memref_slice %arg2[%mul3A_2, %dma_start3A_9] : memref<1792x128xi32, #tpu.memory_space<hbm>> -> memref<56x128xi32, #tpu.memory_space<hbm>>
      tpu.enqueue_dma source(%dma_start3A_10 : memref<56x128xi32, #tpu.memory_space<hbm>>) target(%arg5 : memref<56x128xi32, #tpu.memory_space<vmem>>) target_semaphore(%run_scoped3A : memref<!tpu.dma_semaphore, #tpu.memory_space<semaphore_mem>>)
      %dma_wait3A = arith.constant 0 : i32
      %dma_wait3A_11 = tpu.memref_slice %arg2[%mul3A_2, %dma_wait3A] : memref<1792x128xi32, #tpu.memory_space<hbm>> -> memref<56x128xi32, #tpu.memory_space<hbm>>
      %dma_wait3A_12 = arith.constant 0 : i32
      %dma_wait3A_13 = tpu.memref_slice %arg2[%mul3A_2, %dma_wait3A_12] : memref<1792x128xi32, #tpu.memory_space<hbm>> -> memref<56x128xi32, #tpu.memory_space<hbm>>
      tpu.wait_dma2 semaphore(%run_scoped3A : memref<!tpu.dma_semaphore, #tpu.memory_space<semaphore_mem>>) src(%dma_wait3A_13 : memref<56x128xi32, #tpu.memory_space<hbm>>) dst(%arg5 : memref<56x128xi32, #tpu.memory_space<vmem>>)
      tpu.yield
    }) : () -> ()
    %scan3A = arith.constant 0 : i32
    %scan3A_3 = arith.constant 0 : i32
    %scan3A_4 = arith.constant 28 : i32
    %scan3A_5 = arith.addi %scan3A_3, %scan3A_4 : i32
    %scan3A_6 = arith.constant 1 : i32
    scf.for %scan3A_8 = %scan3A_3 to %scan3A_5 step %scan3A_6  : i32 {
      %mul3A_9 = arith.constant 2 : i32
      %mul3A_10 = arith.muli %scan3A_8, %mul3A_9 : i32
      %add3A_11 = arith.constant 0 : i32
      %add3A_12 = arith.addi %mul3A_10, %add3A_11 : i32
      %dma_start3A = arith.constant 0 : i32
      %dma_start3A_13 = tpu.memref_slice %arg5[%add3A_12, %dma_start3A] : memref<56x128xi32, #tpu.memory_space<vmem>> -> memref<1x128xi32, #tpu.memory_space<vmem>>
      %dma_start3A_14 = tpu.memref_squeeze %dma_start3A_13 : memref<1x128xi32, #tpu.memory_space<vmem>> -> memref<128xi32, #tpu.memory_space<vmem>>
      %dma_start3A_15 = arith.constant 0 : i32
      %dma_start3A_16 = arith.constant 0 : i32
      %dma_start3A_17 = tpu.memref_slice %arg3[%dma_start3A_15, %dma_start3A_16] : memref<4000000x32xf32, #tpu.memory_space<hbm>> -> memref<4000000x32xf32, #tpu.memory_space<hbm>>
      tpu.enqueue_indirect_dma source(%dma_start3A_17 : memref<4000000x32xf32, #tpu.memory_space<hbm>>) target(%arg6 : memref<128x32xf32, #tpu.memory_space<vmem>>) offsets(%dma_start3A_14 : memref<128xi32, #tpu.memory_space<vmem>>) semaphore(%arg8 : memref<!tpu.dma_semaphore, #tpu.memory_space<semaphore_mem>>)
      %add3A_18 = arith.constant 1 : i32
      %add3A_19 = arith.addi %mul3A_10, %add3A_18 : i32
      %dma_start3A_20 = arith.constant 0 : i32
      %dma_start3A_21 = tpu.memref_slice %arg5[%add3A_19, %dma_start3A_20] : memref<56x128xi32, #tpu.memory_space<vmem>> -> memref<1x128xi32, #tpu.memory_space<vmem>>
      %dma_start3A_22 = tpu.memref_squeeze %dma_start3A_21 : memref<1x128xi32, #tpu.memory_space<vmem>> -> memref<128xi32, #tpu.memory_space<vmem>>
      %dma_start3A_23 = arith.constant 0 : i32
      %dma_start3A_24 = arith.constant 0 : i32
      %dma_start3A_25 = tpu.memref_slice %arg3[%dma_start3A_23, %dma_start3A_24] : memref<4000000x32xf32, #tpu.memory_space<hbm>> -> memref<4000000x32xf32, #tpu.memory_space<hbm>>
      tpu.enqueue_indirect_dma source(%dma_start3A_25 : memref<4000000x32xf32, #tpu.memory_space<hbm>>) target(%arg7 : memref<128x32xf32, #tpu.memory_space<vmem>>) offsets(%dma_start3A_22 : memref<128xi32, #tpu.memory_space<vmem>>) semaphore(%arg9 : memref<!tpu.dma_semaphore, #tpu.memory_space<semaphore_mem>>)
      %mul3A_26 = arith.constant 56 : i32
      %mul3A_27 = arith.muli %add3A, %mul3A_26 : i32
      %add3A_28 = arith.addi %mul3A_27, %mul3A_10 : i32
      %add3A_29 = arith.constant 0 : i32
      %add3A_30 = arith.addi %add3A_28, %add3A_29 : i32
      %mul3A_31 = arith.constant 128 : i32
      %mul3A_32 = arith.muli %add3A_30, %mul3A_31 : i32
      %add3A_33 = arith.constant 0 : i32
      %add3A_34 = arith.addi %mul3A_10, %add3A_33 : i32
      %dma_wait3A = arith.constant 0 : i32
      %dma_wait3A_35 = tpu.memref_slice %arg5[%add3A_34, %dma_wait3A] : memref<56x128xi32, #tpu.memory_space<vmem>> -> memref<1x128xi32, #tpu.memory_space<vmem>>
      %dma_wait3A_36 = tpu.memref_squeeze %dma_wait3A_35 : memref<1x128xi32, #tpu.memory_space<vmem>> -> memref<128xi32, #tpu.memory_space<vmem>>
      %dma_wait3A_37 = arith.constant 0 : i32
      %dma_wait3A_38 = arith.constant 0 : i32
      %dma_wait3A_39 = tpu.memref_slice %arg3[%dma_wait3A_37, %dma_wait3A_38] : memref<4000000x32xf32, #tpu.memory_space<hbm>> -> memref<4000000x32xf32, #tpu.memory_space<hbm>>
      tpu.wait_indirect_dma semaphore(%arg8 : memref<!tpu.dma_semaphore, #tpu.memory_space<semaphore_mem>>) src(%dma_wait3A_39 : memref<4000000x32xf32, #tpu.memory_space<hbm>>) dst(%arg6 : memref<128x32xf32, #tpu.memory_space<vmem>>)
      %dma_start3A_40 = arith.constant 0 : i32
      %dma_start3A_41 = tpu.memref_slice %arg4[%mul3A_32, %dma_start3A_40] : memref<229376x32xf32, #tpu.memory_space<hbm>> -> memref<128x32xf32, #tpu.memory_space<hbm>>
      %dma_start3A_42 = arith.constant 0 : i32
      %dma_start3A_43 = tpu.memref_slice %arg4[%mul3A_32, %dma_start3A_42] : memref<229376x32xf32, #tpu.memory_space<hbm>> -> memref<128x32xf32, #tpu.memory_space<hbm>>
      tpu.enqueue_dma source(%arg6 : memref<128x32xf32, #tpu.memory_space<vmem>>) target(%dma_start3A_43 : memref<128x32xf32, #tpu.memory_space<hbm>>) target_semaphore(%arg10 : memref<!tpu.dma_semaphore, #tpu.memory_space<semaphore_mem>>)
      %mul3A_44 = arith.constant 56 : i32
      %mul3A_45 = arith.muli %add3A, %mul3A_44 : i32
      %add3A_46 = arith.addi %mul3A_45, %mul3A_10 : i32
      %add3A_47 = arith.constant 1 : i32
      %add3A_48 = arith.addi %add3A_46, %add3A_47 : i32
      %mul3A_49 = arith.constant 128 : i32
      %mul3A_50 = arith.muli %add3A_48, %mul3A_49 : i32
      %add3A_51 = arith.constant 1 : i32
      %add3A_52 = arith.addi %mul3A_10, %add3A_51 : i32
      %dma_wait3A_53 = arith.constant 0 : i32
      %dma_wait3A_54 = tpu.memref_slice %arg5[%add3A_52, %dma_wait3A_53] : memref<56x128xi32, #tpu.memory_space<vmem>> -> memref<1x128xi32, #tpu.memory_space<vmem>>
      %dma_wait3A_55 = tpu.memref_squeeze %dma_wait3A_54 : memref<1x128xi32, #tpu.memory_space<vmem>> -> memref<128xi32, #tpu.memory_space<vmem>>
      %dma_wait3A_56 = arith.constant 0 : i32
      %dma_wait3A_57 = arith.constant 0 : i32
      %dma_wait3A_58 = tpu.memref_slice %arg3[%dma_wait3A_56, %dma_wait3A_57] : memref<4000000x32xf32, #tpu.memory_space<hbm>> -> memref<4000000x32xf32, #tpu.memory_space<hbm>>
      tpu.wait_indirect_dma semaphore(%arg9 : memref<!tpu.dma_semaphore, #tpu.memory_space<semaphore_mem>>) src(%dma_wait3A_58 : memref<4000000x32xf32, #tpu.memory_space<hbm>>) dst(%arg7 : memref<128x32xf32, #tpu.memory_space<vmem>>)
      %dma_start3A_59 = arith.constant 0 : i32
      %dma_start3A_60 = tpu.memref_slice %arg4[%mul3A_50, %dma_start3A_59] : memref<229376x32xf32, #tpu.memory_space<hbm>> -> memref<128x32xf32, #tpu.memory_space<hbm>>
      %dma_start3A_61 = arith.constant 0 : i32
      %dma_start3A_62 = tpu.memref_slice %arg4[%mul3A_50, %dma_start3A_61] : memref<229376x32xf32, #tpu.memory_space<hbm>> -> memref<128x32xf32, #tpu.memory_space<hbm>>
      tpu.enqueue_dma source(%arg7 : memref<128x32xf32, #tpu.memory_space<vmem>>) target(%dma_start3A_62 : memref<128x32xf32, #tpu.memory_space<hbm>>) target_semaphore(%arg11 : memref<!tpu.dma_semaphore, #tpu.memory_space<semaphore_mem>>)
      %mul3A_63 = arith.constant 56 : i32
      %mul3A_64 = arith.muli %add3A, %mul3A_63 : i32
      %add3A_65 = arith.addi %mul3A_64, %mul3A_10 : i32
      %add3A_66 = arith.constant 0 : i32
      %add3A_67 = arith.addi %add3A_65, %add3A_66 : i32
      %mul3A_68 = arith.constant 128 : i32
      %mul3A_69 = arith.muli %add3A_67, %mul3A_68 : i32
      %dma_wait3A_70 = arith.constant 0 : i32
      %dma_wait3A_71 = tpu.memref_slice %arg4[%mul3A_69, %dma_wait3A_70] : memref<229376x32xf32, #tpu.memory_space<hbm>> -> memref<128x32xf32, #tpu.memory_space<hbm>>
      %dma_wait3A_72 = arith.constant 0 : i32
      %dma_wait3A_73 = tpu.memref_slice %arg4[%mul3A_69, %dma_wait3A_72] : memref<229376x32xf32, #tpu.memory_space<hbm>> -> memref<128x32xf32, #tpu.memory_space<hbm>>
      tpu.wait_dma2 semaphore(%arg10 : memref<!tpu.dma_semaphore, #tpu.memory_space<semaphore_mem>>) src(%arg6 : memref<128x32xf32, #tpu.memory_space<vmem>>) dst(%dma_wait3A_73 : memref<128x32xf32, #tpu.memory_space<hbm>>)
      %mul3A_74 = arith.constant 56 : i32
      %mul3A_75 = arith.muli %add3A, %mul3A_74 : i32
      %add3A_76 = arith.addi %mul3A_75, %mul3A_10 : i32
      %add3A_77 = arith.constant 1 : i32
      %add3A_78 = arith.addi %add3A_76, %add3A_77 : i32
      %mul3A_79 = arith.constant 128 : i32
      %mul3A_80 = arith.muli %add3A_78, %mul3A_79 : i32
      %dma_wait3A_81 = arith.constant 0 : i32
      %dma_wait3A_82 = tpu.memref_slice %arg4[%mul3A_80, %dma_wait3A_81] : memref<229376x32xf32, #tpu.memory_space<hbm>> -> memref<128x32xf32, #tpu.memory_space<hbm>>
      %dma_wait3A_83 = arith.constant 0 : i32
      %dma_wait3A_84 = tpu.memref_slice %arg4[%mul3A_80, %dma_wait3A_83] : memref<229376x32xf32, #tpu.memory_space<hbm>> -> memref<128x32xf32, #tpu.memory_space<hbm>>
      tpu.wait_dma2 semaphore(%arg11 : memref<!tpu.dma_semaphore, #tpu.memory_space<semaphore_mem>>) src(%arg7 : memref<128x32xf32, #tpu.memory_space<vmem>>) dst(%dma_wait3A_84 : memref<128x32xf32, #tpu.memory_space<hbm>>)
    }
    %scan3A_7 = arith.constant 28 : i32
    return
  }
}

module attributes {stable_mosaic.version = 14 : i64} {
  func.func @body(%arg0: i32, %arg1: memref<32x4096xf32, #tpu.memory_space<vmem>>, %arg2: memref<4096x128xf32, #tpu.memory_space<vmem>>) attributes {dimension_semantics = [#tpu.dimension_semantics<arbitrary>], iteration_bounds = array<i64: 245>, scalar_prefetch = 0 : i64, scratch_operands = 0 : i64, tpu.core_type = #tpu.core_type<tc>, window_params = [{transform_indices = @transform_0, window_bounds = array<i64: 32, 4096>}, {transform_indices = @transform_1, window_bounds = array<i64: 4096, 128>}]} {
    %get3A = arith.constant 0 : index
    %get3A_0 = arith.constant 0 : index
    %get3A_1 = vector.load %arg1[%get3A, %get3A_0] : memref<32x4096xf32, #tpu.memory_space<vmem>>, vector<32x4096xf32>
    %transpose3A = tpu.transpose %get3A_1, [1, 0] : vector<32x4096xf32> -> vector<4096x32xf32>
    %broadcast_in_dim3A = arith.constant 0.000000e+00 : f32
    %broadcast_in_dim3A_2 = vector.broadcast %broadcast_in_dim3A : f32 to vector<4096x96xf32>
    %concatenate3A = tpu.concatenate %transpose3A, %broadcast_in_dim3A_2 in 1 : vector<4096x32xf32>, vector<4096x96xf32> -> vector<4096x128xf32>
    %swap3A = arith.constant 0 : index
    %swap3A_3 = arith.constant 0 : index
    %swap3A_4 = vector.load %arg2[%swap3A, %swap3A_3] : memref<4096x128xf32, #tpu.memory_space<vmem>>, vector<4096x128xf32>
    tpu.vector_store %arg2[%swap3A, %swap3A_3], %concatenate3A {strides = array<i32>} : memref<4096x128xf32, #tpu.memory_space<vmem>>, vector<4096x128xf32>,
    return
  }
  func.func @transform_0(%arg0: i32) -> (i32, i32) {
    %c0_i32 = arith.constant 0 : i32
    %c0_i32_0 = arith.constant 0 : i32
    return %c0_i32, %arg0 : i32, i32
  }
  func.func @transform_1(%arg0: i32) -> (i32, i32) {
    %c0_i32 = arith.constant 0 : i32
    %c0_i32_0 = arith.constant 0 : i32
    return %arg0, %c0_i32 : i32, i32
  }
}

module attributes {stable_mosaic.version = 14 : i64} {
  func.func @_tc_body(%arg0: i32, %arg1: memref<896x256xf32, #tpu.memory_space<vmem>>, %arg2: memref<896x8xf32, #tpu.memory_space<vmem>>, %arg3: memref<128x32xf32, #tpu.memory_space<vmem>>, %arg4: memref<256x256xbf16, #tpu.memory_space<vmem>>, %arg5: memref<256x256xbf16, #tpu.memory_space<vmem>>, %arg6: memref<256x256xbf16, #tpu.memory_space<vmem>>, %arg7: memref<256x256xbf16, #tpu.memory_space<vmem>>, %arg8: memref<256x8xf32, #tpu.memory_space<vmem>>, %arg9: memref<1x256xf32, #tpu.memory_space<vmem>>, %arg10: memref<1x256xf32, #tpu.memory_space<vmem>>, %arg11: memref<1x256xf32, #tpu.memory_space<vmem>>, %arg12: memref<1x256xf32, #tpu.memory_space<vmem>>, %arg13: memref<5x256xf32, #tpu.memory_space<vmem>>, %arg14: memref<8x256xf32, #tpu.memory_space<vmem>>, %arg15: memref<256x32xf32, #tpu.memory_space<vmem>>, %arg16: memref<32x256xf32, #tpu.memory_space<vmem>>, %arg17: memref<32x32xf32, #tpu.memory_space<vmem>>, %arg18: memref<896x128xf32, #tpu.memory_space<vmem>>, %arg19: memref<128x896xf32, #tpu.memory_space<vmem>>, %arg20: memref<128x32xf32, #tpu.memory_space<vmem>>) attributes {dimension_semantics = [#tpu.dimension_semantics<arbitrary>], iteration_bounds = array<i64: 32>, scalar_prefetch = 0 : i64, scratch_operands = 0 : i64, tpu.core_type = #tpu.core_type<tc>, window_params = [{transform_indices = @transform_0, window_bounds = array<i64: 896, 256>}, {transform_indices = @transform_1, window_bounds = array<i64: 896, 8>}, {transform_indices = @transform_2, window_bounds = array<i64: 128, 32>}, {pipeline_mode = #tpu.pipeline_mode<synchronous>, transform_indices = @transform_3, window_bounds = array<i64: 256, 256>}, {pipeline_mode = #tpu.pipeline_mode<synchronous>, transform_indices = @transform_4, window_bounds = array<i64: 256, 256>}, {pipeline_mode = #tpu.pipeline_mode<synchronous>, transform_indices = @transform_5, window_bounds = array<i64: 256, 256>}, {pipeline_mode = #tpu.pipeline_mode<synchronous>, transform_indices = @transform_6, window_bounds = array<i64: 256, 256>}, {pipeline_mode = #tpu.pipeline_mode<synchronous>, transform_indices = @transform_7, window_bounds = array<i64: 256, 8>}, {pipeline_mode = #tpu.pipeline_mode<synchronous>, transform_indices = @transform_8, window_bounds = array<i64: 1, 256>}, {pipeline_mode = #tpu.pipeline_mode<synchronous>, transform_indices = @transform_9, window_bounds = array<i64: 1, 256>}, {pipeline_mode = #tpu.pipeline_mode<synchronous>, transform_indices = @transform_10, window_bounds = array<i64: 1, 256>}, {pipeline_mode = #tpu.pipeline_mode<synchronous>, transform_indices = @transform_11, window_bounds = array<i64: 1, 256>}, {pipeline_mode = #tpu.pipeline_mode<synchronous>, transform_indices = @transform_12, window_bounds = array<i64: 5, 256>}, {pipeline_mode = #tpu.pipeline_mode<synchronous>, transform_indices = @transform_13, window_bounds = array<i64: 8, 256>}, {pipeline_mode = #tpu.pipeline_mode<synchronous>, transform_indices = @transform_14, window_bounds = array<i64: 256, 32>}, {pipeline_mode = #tpu.pipeline_mode<synchronous>, transform_indices = @transform_15, window_bounds = array<i64: 32, 256>}, {pipeline_mode = #tpu.pipeline_mode<synchronous>, transform_indices = @transform_16, window_bounds = array<i64: 32, 32>}, {pipeline_mode = #tpu.pipeline_mode<synchronous>, transform_indices = @transform_17, window_bounds = array<i64: 896, 128>}, {pipeline_mode = #tpu.pipeline_mode<synchronous>, transform_indices = @transform_18, window_bounds = array<i64: 128, 896>}, {transform_indices = @transform_19, window_bounds = array<i64: 128, 32>}]} {
    %get3A = arith.constant 0 : index
    %get3A_0 = arith.constant 0 : index
    %get3A_1 = vector.load %arg1[%get3A, %get3A_0] : memref<896x256xf32, #tpu.memory_space<vmem>>, vector<896x256xf32>
    %get3A_2 = arith.constant 0 : index
    %get3A_3 = arith.constant 0 : index
    %get3A_4 = vector.load %arg14[%get3A_2, %get3A_3] : memref<8x256xf32, #tpu.memory_space<vmem>>, vector<8x256xf32>
    %get3A_5 = arith.constant 0 : index
    %get3A_6 = arith.constant 0 : index
    %get3A_7 = vector.load %arg2[%get3A_5, %get3A_6] : memref<896x8xf32, #tpu.memory_space<vmem>>, vector<896x8xf32>
    %dot_general3A = arith.constant dense<0.000000e+00> : vector<896x256xf32>
    %dot_general3A_8 = tpu.matmul %get3A_7, %get3A_4, %dot_general3A {dimension_numbers = #tpu.dot_dimension_numbers<[1], [0], [0], [1], [0, 0, 1, 1], [], []>, transpose_lhs_hint = false} : vector<896x8xf32>, vector<8x256xf32>, vector<896x256xf32> -> vector<896x256xf32>
    %get3A_9 = arith.constant 0 : index
    %get3A_10 = arith.constant 0 : index
    %get3A_11 = vector.load %arg13[%get3A_9, %get3A_10] : memref<5x256xf32, #tpu.memory_space<vmem>>, vector<5x256xf32>
    %eq3A = arith.constant 0.000000e+00 : f32
    %eq3A_12 = vector.broadcast %eq3A : f32 to vector<896x256xf32>
    %eq3A_13 = arith.cmpf oeq, %dot_general3A_8, %eq3A_12 : vector<896x256xf32>
    %slice3A = vector.extract_strided_slice %get3A_11 {offsets = [0, 0], sizes = [1, 256], strides = [1, 1]} : vector<5x256xf32> to vector<1x256xf32>
    %eq3A_14 = arith.constant 1.000000e+00 : f32
    %eq3A_15 = vector.broadcast %eq3A_14 : f32 to vector<896x256xf32>
    %eq3A_16 = arith.cmpf oeq, %dot_general3A_8, %eq3A_15 : vector<896x256xf32>
    %slice3A_17 = vector.extract_strided_slice %get3A_11 {offsets = [1, 0], sizes = [1, 256], strides = [1, 1]} : vector<5x256xf32> to vector<1x256xf32>
    %eq3A_18 = arith.constant 2.000000e+00 : f32
    %eq3A_19 = vector.broadcast %eq3A_18 : f32 to vector<896x256xf32>
    %eq3A_20 = arith.cmpf oeq, %dot_general3A_8, %eq3A_19 : vector<896x256xf32>
    %slice3A_21 = vector.extract_strided_slice %get3A_11 {offsets = [2, 0], sizes = [1, 256], strides = [1, 1]} : vector<5x256xf32> to vector<1x256xf32>
    %eq3A_22 = arith.constant 3.000000e+00 : f32
    %eq3A_23 = vector.broadcast %eq3A_22 : f32 to vector<896x256xf32>
    %eq3A_24 = arith.cmpf oeq, %dot_general3A_8, %eq3A_23 : vector<896x256xf32>
    %slice3A_25 = vector.extract_strided_slice %get3A_11 {offsets = [3, 0], sizes = [1, 256], strides = [1, 1]} : vector<5x256xf32> to vector<1x256xf32>
    %slice3A_26 = vector.extract_strided_slice %get3A_11 {offsets = [4, 0], sizes = [1, 256], strides = [1, 1]} : vector<5x256xf32> to vector<1x256xf32>
    %broadcast_in_dim3A = vector.shape_cast %slice3A_25 : vector<1x256xf32> to vector<1x256xf32>
    %broadcast_in_dim3A_27 = vector.broadcast %broadcast_in_dim3A : vector<1x256xf32> to vector<896x256xf32>
    %broadcast_in_dim3A_28 = vector.shape_cast %slice3A_26 : vector<1x256xf32> to vector<1x256xf32>
    %broadcast_in_dim3A_29 = vector.broadcast %broadcast_in_dim3A_28 : vector<1x256xf32> to vector<896x256xf32>
    %select_n3A = arith.select %eq3A_24, %broadcast_in_dim3A_27, %broadcast_in_dim3A_29 : vector<896x256xi1>, vector<896x256xf32>
    %broadcast_in_dim3A_30 = vector.shape_cast %slice3A_21 : vector<1x256xf32> to vector<1x256xf32>
    %broadcast_in_dim3A_31 = vector.broadcast %broadcast_in_dim3A_30 : vector<1x256xf32> to vector<896x256xf32>
    %select_n3A_32 = arith.select %eq3A_20, %broadcast_in_dim3A_31, %select_n3A : vector<896x256xi1>, vector<896x256xf32>
    %broadcast_in_dim3A_33 = vector.shape_cast %slice3A_17 : vector<1x256xf32> to vector<1x256xf32>
    %broadcast_in_dim3A_34 = vector.broadcast %broadcast_in_dim3A_33 : vector<1x256xf32> to vector<896x256xf32>
    %select_n3A_35 = arith.select %eq3A_16, %broadcast_in_dim3A_34, %select_n3A_32 : vector<896x256xi1>, vector<896x256xf32>
    %broadcast_in_dim3A_36 = vector.shape_cast %slice3A : vector<1x256xf32> to vector<1x256xf32>
    %broadcast_in_dim3A_37 = vector.broadcast %broadcast_in_dim3A_36 : vector<1x256xf32> to vector<896x256xf32>
    %select_n3A_38 = arith.select %eq3A_13, %broadcast_in_dim3A_37, %select_n3A_35 : vector<896x256xi1>, vector<896x256xf32>
    %convert_element_type3A = arith.truncf %get3A_1 : vector<896x256xf32> to vector<896x256xbf16>
    %get3A_39 = arith.constant 0 : index
    %get3A_40 = arith.constant 0 : index
    %get3A_41 = vector.load %arg4[%get3A_39, %get3A_40] : memref<256x256xbf16, #tpu.memory_space<vmem>>, vector<256x256xbf16>
    %dot_general3A_42 = arith.constant dense<0.000000e+00> : vector<896x256xf32>
    %dot_general3A_43 = tpu.matmul %convert_element_type3A, %get3A_41, %dot_general3A_42 {dimension_numbers = #tpu.dot_dimension_numbers<[1], [0], [0], [1], [0, 0, 1, 1], [], []>, transpose_lhs_hint = false} : vector<896x256xbf16>, vector<256x256xbf16>, vector<896x256xf32> -> vector<896x256xf32>
    %add3A = arith.addf %dot_general3A_43, %select_n3A_38 : vector<896x256xf32>
    %get3A_44 = arith.constant 0 : index
    %get3A_45 = arith.constant 0 : index
    %get3A_46 = vector.load %arg9[%get3A_44, %get3A_45] : memref<1x256xf32, #tpu.memory_space<vmem>>, vector<1x256xf32>
    %add3A_47 = vector.broadcast %get3A_46 : vector<1x256xf32> to vector<896x256xf32>
    %add3A_48 = arith.addf %add3A, %add3A_47 : vector<896x256xf32>
    %max3A = arith.constant 0.000000e+00 : f32
    %max3A_49 = vector.broadcast %max3A : f32 to vector<896x256xf32>
    %max3A_50 = arith.maximumf %add3A_48, %max3A_49 : vector<896x256xf32>
    %convert_element_type3A_51 = arith.truncf %max3A_50 : vector<896x256xf32> to vector<896x256xbf16>
    %get3A_52 = arith.constant 0 : index
    %get3A_53 = arith.constant 0 : index
    %get3A_54 = vector.load %arg5[%get3A_52, %get3A_53] : memref<256x256xbf16, #tpu.memory_space<vmem>>, vector<256x256xbf16>
    %dot_general3A_55 = arith.constant dense<0.000000e+00> : vector<896x256xf32>
    %dot_general3A_56 = tpu.matmul %convert_element_type3A_51, %get3A_54, %dot_general3A_55 {dimension_numbers = #tpu.dot_dimension_numbers<[1], [0], [0], [1], [0, 0, 1, 1], [], []>, transpose_lhs_hint = false} : vector<896x256xbf16>, vector<256x256xbf16>, vector<896x256xf32> -> vector<896x256xf32>
    %get3A_57 = arith.constant 0 : index
    %get3A_58 = arith.constant 0 : index
    %get3A_59 = vector.load %arg10[%get3A_57, %get3A_58] : memref<1x256xf32, #tpu.memory_space<vmem>>, vector<1x256xf32>
    %add3A_60 = vector.broadcast %get3A_59 : vector<1x256xf32> to vector<896x256xf32>
    %add3A_61 = arith.addf %dot_general3A_56, %add3A_60 : vector<896x256xf32>
    %max3A_62 = arith.constant 0.000000e+00 : f32
    %max3A_63 = vector.broadcast %max3A_62 : f32 to vector<896x256xf32>
    %max3A_64 = arith.maximumf %add3A_61, %max3A_63 : vector<896x256xf32>
    %get3A_65 = arith.constant 0 : index
    %get3A_66 = arith.constant 0 : index
    %get3A_67 = vector.load %arg3[%get3A_65, %get3A_66] : memref<128x32xf32, #tpu.memory_space<vmem>>, vector<128x32xf32>
    %get3A_68 = arith.constant 0 : index
    %get3A_69 = arith.constant 0 : index
    %get3A_70 = vector.load %arg17[%get3A_68, %get3A_69] : memref<32x32xf32, #tpu.memory_space<vmem>>, vector<32x32xf32>
    %dot_general3A_71 = arith.constant dense<0.000000e+00> : vector<128x32xf32>
    %dot_general3A_72 = tpu.matmul %get3A_67, %get3A_70, %dot_general3A_71 {dimension_numbers = #tpu.dot_dimension_numbers<[1], [0], [0], [1], [0, 0, 1, 1], [], []>, transpose_lhs_hint = false} : vector<128x32xf32>, vector<32x32xf32>, vector<128x32xf32> -> vector<128x32xf32>
    %get3A_73 = arith.constant 0 : index
    %get3A_74 = arith.constant 0 : index
    %get3A_75 = vector.load %arg16[%get3A_73, %get3A_74] : memref<32x256xf32, #tpu.memory_space<vmem>>, vector<32x256xf32>
    %dot_general3A_76 = arith.constant dense<0.000000e+00> : vector<128x256xf32>
    %dot_general3A_77 = tpu.matmul %dot_general3A_72, %get3A_75, %dot_general3A_76 {dimension_numbers = #tpu.dot_dimension_numbers<[1], [0], [0], [1], [0, 0, 1, 1], [], []>, transpose_lhs_hint = false} : vector<128x32xf32>, vector<32x256xf32>, vector<128x256xf32> -> vector<128x256xf32>
    %get3A_78 = arith.constant 0 : index
    %get3A_79 = arith.constant 0 : index
    %get3A_80 = vector.load %arg18[%get3A_78, %get3A_79] : memref<896x128xf32, #tpu.memory_space<vmem>>, vector<896x128xf32>
    %dot_general3A_81 = arith.constant dense<0.000000e+00> : vector<896x256xf32>
    %dot_general3A_82 = tpu.matmul %get3A_80, %dot_general3A_77, %dot_general3A_81 {dimension_numbers = #tpu.dot_dimension_numbers<[1], [0], [0], [1], [0, 0, 1, 1], [], []>, transpose_lhs_hint = false} : vector<896x128xf32>, vector<128x256xf32>, vector<896x256xf32> -> vector<896x256xf32>
    %convert_element_type3A_83 = arith.truncf %max3A_64 : vector<896x256xf32> to vector<896x256xbf16>
    %get3A_84 = arith.constant 0 : index
    %get3A_85 = arith.constant 0 : index
    %get3A_86 = vector.load %arg6[%get3A_84, %get3A_85] : memref<256x256xbf16, #tpu.memory_space<vmem>>, vector<256x256xbf16>
    %dot_general3A_87 = arith.constant dense<0.000000e+00> : vector<896x256xf32>
    %dot_general3A_88 = tpu.matmul %convert_element_type3A_83, %get3A_86, %dot_general3A_87 {dimension_numbers = #tpu.dot_dimension_numbers<[1], [0], [0], [1], [0, 0, 1, 1], [], []>, transpose_lhs_hint = false} : vector<896x256xbf16>, vector<256x256xbf16>, vector<896x256xf32> -> vector<896x256xf32>
    %add3A_89 = arith.addf %dot_general3A_88, %dot_general3A_82 : vector<896x256xf32>
    %get3A_90 = arith.constant 0 : index
    %get3A_91 = arith.constant 0 : index
    %get3A_92 = vector.load %arg11[%get3A_90, %get3A_91] : memref<1x256xf32, #tpu.memory_space<vmem>>, vector<1x256xf32>
    %add3A_93 = vector.broadcast %get3A_92 : vector<1x256xf32> to vector<896x256xf32>
    %add3A_94 = arith.addf %add3A_89, %add3A_93 : vector<896x256xf32>
    %max3A_95 = arith.constant 0.000000e+00 : f32
    %max3A_96 = vector.broadcast %max3A_95 : f32 to vector<896x256xf32>
    %max3A_97 = arith.maximumf %add3A_94, %max3A_96 : vector<896x256xf32>
    %convert_element_type3A_98 = arith.truncf %max3A_97 : vector<896x256xf32> to vector<896x256xbf16>
    %get3A_99 = arith.constant 0 : index
    %get3A_100 = arith.constant 0 : index
    %get3A_101 = vector.load %arg7[%get3A_99, %get3A_100] : memref<256x256xbf16, #tpu.memory_space<vmem>>, vector<256x256xbf16>
    %dot_general3A_102 = arith.constant dense<0.000000e+00> : vector<896x256xf32>
    %dot_general3A_103 = tpu.matmul %convert_element_type3A_98, %get3A_101, %dot_general3A_102 {dimension_numbers = #tpu.dot_dimension_numbers<[1], [0], [0], [1], [0, 0, 1, 1], [], []>, transpose_lhs_hint = false} : vector<896x256xbf16>, vector<256x256xbf16>, vector<896x256xf32> -> vector<896x256xf32>
    %get3A_104 = arith.constant 0 : index
    %get3A_105 = arith.constant 0 : index
    %get3A_106 = vector.load %arg12[%get3A_104, %get3A_105] : memref<1x256xf32, #tpu.memory_space<vmem>>, vector<1x256xf32>
    %add3A_107 = vector.broadcast %get3A_106 : vector<1x256xf32> to vector<896x256xf32>
    %add3A_108 = arith.addf %dot_general3A_103, %add3A_107 : vector<896x256xf32>
    %max3A_109 = arith.constant 0.000000e+00 : f32
    %max3A_110 = vector.broadcast %max3A_109 : f32 to vector<896x256xf32>
    %max3A_111 = arith.maximumf %add3A_108, %max3A_110 : vector<896x256xf32>
    %get3A_112 = arith.constant 0 : index
    %get3A_113 = arith.constant 0 : index
    %get3A_114 = vector.load %arg8[%get3A_112, %get3A_113] : memref<256x8xf32, #tpu.memory_space<vmem>>, vector<256x8xf32>
    %dot_general3A_115 = arith.constant dense<0.000000e+00> : vector<896x8xf32>
    %dot_general3A_116 = tpu.matmul %max3A_111, %get3A_114, %dot_general3A_115 {dimension_numbers = #tpu.dot_dimension_numbers<[1], [0], [0], [1], [0, 0, 1, 1], [], []>, transpose_lhs_hint = false} : vector<896x256xf32>, vector<256x8xf32>, vector<896x8xf32> -> vector<896x8xf32>
    %iota3A = tpu.iota {dimensions = array<i32: 0>} : vector<896x8xi32>
    %iota3A_117 = tpu.iota {dimensions = array<i32: 1>} : vector<896x8xi32>
    %jit3A = arith.constant 7 : i32
    %eq3A_118 = arith.constant 0 : i32
    %eq3A_119 = arith.cmpi eq, %jit3A, %eq3A_118 : i32
    %jit3A_120 = arith.constant 1 : i32
    %select_n3A_121 = arith.select %eq3A_119, %jit3A_120, %jit3A : i32
    %rem3A = vector.broadcast %select_n3A_121 : i32 to vector<896x8xi32>
    %rem3A_122 = arith.remsi %iota3A, %rem3A : vector<896x8xi32>
    %ne3A = arith.constant 0 : i32
    %ne3A_123 = vector.broadcast %ne3A : i32 to vector<896x8xi32>
    %ne3A_124 = arith.cmpi ne, %rem3A_122, %ne3A_123 : vector<896x8xi32>
    %lt3A = arith.constant 0 : i32
    %lt3A_125 = vector.broadcast %lt3A : i32 to vector<896x8xi32>
    %lt3A_126 = arith.cmpi slt, %rem3A_122, %lt3A_125 : vector<896x8xi32>
    %lt3A_127 = arith.constant 0 : i32
    %lt3A_128 = arith.cmpi slt, %select_n3A_121, %lt3A_127 : i32
    %ne3A_129 = vector.broadcast %lt3A_128 : i1 to vector<896x8xi1>
    %ne3A_130 = vector.broadcast %ne3A_129 : vector<896x8xi1> to vector<896x8xi1>
    %ne3A_131 = arith.xori %lt3A_126, %ne3A_130 : vector<896x8xi1>
    %and3A = arith.andi %ne3A_131, %ne3A_124 : vector<896x8xi1>
    %add3A_132 = vector.broadcast %select_n3A_121 : i32 to vector<896x8xi32>
    %add3A_133 = arith.addi %rem3A_122, %add3A_132 : vector<896x8xi32>
    %select_n3A_134 = arith.select %and3A, %add3A_133, %rem3A_122 : vector<896x8xi1>, vector<896x8xi32>
    %lt3A_135 = arith.constant 6 : i32
    %lt3A_136 = vector.broadcast %lt3A_135 : i32 to vector<896x8xi32>
    %lt3A_137 = arith.cmpi slt, %select_n3A_134, %lt3A_136 : vector<896x8xi32>
    %lt3A_138 = arith.constant 2 : i32
    %lt3A_139 = vector.broadcast %lt3A_138 : i32 to vector<896x8xi32>
    %lt3A_140 = arith.cmpi slt, %iota3A_117, %lt3A_139 : vector<896x8xi32>
    %or3A = arith.ori %lt3A_137, %lt3A_140 : vector<896x8xi1>
    %jit3A_141 = arith.constant -1.000000e+30 : f32
    %broadcast_in_dim3A_142 = vector.broadcast %jit3A_141 : f32 to vector<896x8xf32>
    %select_n3A_143 = arith.select %or3A, %dot_general3A_116, %broadcast_in_dim3A_142 : vector<896x8xi1>, vector<896x8xf32>
    %reduce_max3A = vector.shape_cast %select_n3A_143 : vector<896x8xf32> to vector<1x896x8xf32>
    %reduce_max3A_144 = arith.constant dense<0xFF800000> : vector<1xf32>
    %reduce_max3A_145 = vector.multi_reduction <maximumf>, %reduce_max3A, %reduce_max3A_144 [1, 2] : vector<1x896x8xf32> to vector<1xf32>
    %reduce_max3A_146 = vector.shape_cast %reduce_max3A_145 : vector<1xf32> to vector<1x1x1xf32>
    %reduce_max3A_147 = vector.extract %reduce_max3A_146[0, 0, 0] : f32 from vector<1x1x1xf32>
    %sub3A = vector.broadcast %reduce_max3A_147 : f32 to vector<896x8xf32>
    %sub3A_148 = arith.subf %select_n3A_143, %sub3A : vector<896x8xf32>
    %exp3A = math.exp %sub3A_148 : vector<896x8xf32>
    %get3A_149 = arith.constant 0 : index
    %get3A_150 = arith.constant 0 : index
    %get3A_151 = vector.load %arg19[%get3A_149, %get3A_150] : memref<128x896xf32, #tpu.memory_space<vmem>>, vector<128x896xf32>
    %dot_general3A_152 = arith.constant dense<0.000000e+00> : vector<128x8xf32>
    %dot_general3A_153 = tpu.matmul %get3A_151, %exp3A, %dot_general3A_152 {dimension_numbers = #tpu.dot_dimension_numbers<[1], [0], [0], [1], [0, 0, 1, 1], [], []>, transpose_lhs_hint = false} : vector<128x896xf32>, vector<896x8xf32>, vector<128x8xf32> -> vector<128x8xf32>
    %reduce_sum3A = arith.constant dense<0.000000e+00> : vector<128xf32>
    %reduce_sum3A_154 = vector.multi_reduction <add>, %dot_general3A_153, %reduce_sum3A [1] : vector<128x8xf32> to vector<128xf32>
    %broadcast_in_dim3A_155 = vector.shape_cast %reduce_sum3A_154 : vector<128xf32> to vector<128x1xf32>
    %div3A = arith.constant 1.000000e+00 : f32
    %div3A_156 = vector.broadcast %div3A : f32 to vector<128x1xf32>
    %div3A_157 = arith.divf %div3A_156, %broadcast_in_dim3A_155 : vector<128x1xf32>
    %get3A_158 = arith.constant 0 : index
    %get3A_159 = arith.constant 0 : index
    %get3A_160 = vector.load %arg18[%get3A_158, %get3A_159] : memref<896x128xf32, #tpu.memory_space<vmem>>, vector<896x128xf32>
    %dot_general3A_161 = arith.constant dense<0.000000e+00> : vector<896x1xf32>
    %dot_general3A_162 = tpu.matmul %get3A_160, %div3A_157, %dot_general3A_161 {dimension_numbers = #tpu.dot_dimension_numbers<[1], [0], [0], [1], [0, 0, 1, 1], [], []>, transpose_lhs_hint = false} : vector<896x128xf32>, vector<128x1xf32>, vector<896x1xf32> -> vector<896x1xf32>
    %mul3A = vector.broadcast %dot_general3A_162 : vector<896x1xf32> to vector<896x8xf32>
    %mul3A_163 = arith.mulf %exp3A, %mul3A : vector<896x8xf32>
    %dot_general3A_164 = arith.constant dense<0.000000e+00> : vector<896x256xf32>
    %dot_general3A_165 = tpu.matmul %mul3A_163, %get3A_4, %dot_general3A_164 {dimension_numbers = #tpu.dot_dimension_numbers<[1], [0], [0], [1], [0, 0, 1, 1], [], []>, transpose_lhs_hint = false} : vector<896x8xf32>, vector<8x256xf32>, vector<896x256xf32> -> vector<896x256xf32>
    %mul3A_166 = arith.mulf %max3A_64, %dot_general3A_165 : vector<896x256xf32>
    %get3A_167 = arith.constant 0 : index
    %get3A_168 = arith.constant 0 : index
    %get3A_169 = vector.load %arg15[%get3A_167, %get3A_168] : memref<256x32xf32, #tpu.memory_space<vmem>>, vector<256x32xf32>
    %dot_general3A_170 = arith.constant dense<0.000000e+00> : vector<896x32xf32>
    %dot_general3A_171 = tpu.matmul %mul3A_166, %get3A_169, %dot_general3A_170 {dimension_numbers = #tpu.dot_dimension_numbers<[1], [0], [0], [1], [0, 0, 1, 1], [], []>, transpose_lhs_hint = false} : vector<896x256xf32>, vector<256x32xf32>, vector<896x32xf32> -> vector<896x32xf32>
    %get3A_172 = arith.constant 0 : index
    %get3A_173 = arith.constant 0 : index
    %get3A_174 = vector.load %arg19[%get3A_172, %get3A_173] : memref<128x896xf32, #tpu.memory_space<vmem>>, vector<128x896xf32>
    %dot_general3A_175 = arith.constant dense<0.000000e+00> : vector<128x32xf32>
    %dot_general3A_176 = tpu.matmul %get3A_174, %dot_general3A_171, %dot_general3A_175 {dimension_numbers = #tpu.dot_dimension_numbers<[1], [0], [0], [1], [0, 0, 1, 1], [], []>, transpose_lhs_hint = false} : vector<128x896xf32>, vector<896x32xf32>, vector<128x32xf32> -> vector<128x32xf32>
    %swap3A = arith.constant 0 : index
    %swap3A_177 = arith.constant 0 : index
    %swap3A_178 = vector.load %arg20[%swap3A, %swap3A_177] : memref<128x32xf32, #tpu.memory_space<vmem>>, vector<128x32xf32>
    tpu.vector_store %arg20[%swap3A, %swap3A_177], %dot_general3A_176 {strides = array<i32>} : memref<128x32xf32, #tpu.memory_space<vmem>>, vector<128x32xf32>,
    return
  }
  func.func @transform_0(%arg0: i32) -> (i32, i32) {
    %c0_i32 = arith.constant 0 : i32
    %c0_i32_0 = arith.constant 0 : i32
    return %arg0, %c0_i32 : i32, i32
  }
  func.func @transform_1(%arg0: i32) -> (i32, i32) {
    %c0_i32 = arith.constant 0 : i32
    %c0_i32_0 = arith.constant 0 : i32
    return %arg0, %c0_i32 : i32, i32
  }
  func.func @transform_2(%arg0: i32) -> (i32, i32) {
    %c0_i32 = arith.constant 0 : i32
    %c0_i32_0 = arith.constant 0 : i32
    return %arg0, %c0_i32 : i32, i32
  }
  func.func @transform_3(%arg0: i32) -> (i32, i32) {
    %c0_i32 = arith.constant 0 : i32
    %c0_i32_0 = arith.constant 0 : i32
    %c0_i32_1 = arith.constant 0 : i32
    return %c0_i32, %c0_i32_0 : i32, i32
  }
  func.func @transform_4(%arg0: i32) -> (i32, i32) {
    %c0_i32 = arith.constant 0 : i32
    %c0_i32_0 = arith.constant 0 : i32
    %c0_i32_1 = arith.constant 0 : i32
    return %c0_i32, %c0_i32_0 : i32, i32
  }
  func.func @transform_5(%arg0: i32) -> (i32, i32) {
    %c0_i32 = arith.constant 0 : i32
    %c0_i32_0 = arith.constant 0 : i32
    %c0_i32_1 = arith.constant 0 : i32
    return %c0_i32, %c0_i32_0 : i32, i32
  }
  func.func @transform_6(%arg0: i32) -> (i32, i32) {
    %c0_i32 = arith.constant 0 : i32
    %c0_i32_0 = arith.constant 0 : i32
    %c0_i32_1 = arith.constant 0 : i32
    return %c0_i32, %c0_i32_0 : i32, i32
  }
  func.func @transform_7(%arg0: i32) -> (i32, i32) {
    %c0_i32 = arith.constant 0 : i32
    %c0_i32_0 = arith.constant 0 : i32
    %c0_i32_1 = arith.constant 0 : i32
    return %c0_i32, %c0_i32_0 : i32, i32
  }
  func.func @transform_8(%arg0: i32) -> (i32, i32) {
    %c0_i32 = arith.constant 0 : i32
    %c0_i32_0 = arith.constant 0 : i32
    %c0_i32_1 = arith.constant 0 : i32
    return %c0_i32, %c0_i32_0 : i32, i32
  }
  func.func @transform_9(%arg0: i32) -> (i32, i32) {
    %c0_i32 = arith.constant 0 : i32
    %c0_i32_0 = arith.constant 0 : i32
    %c0_i32_1 = arith.constant 0 : i32
    return %c0_i32, %c0_i32_0 : i32, i32
  }
  func.func @transform_10(%arg0: i32) -> (i32, i32) {
    %c0_i32 = arith.constant 0 : i32
    %c0_i32_0 = arith.constant 0 : i32
    %c0_i32_1 = arith.constant 0 : i32
    return %c0_i32, %c0_i32_0 : i32, i32
  }
  func.func @transform_11(%arg0: i32) -> (i32, i32) {
    %c0_i32 = arith.constant 0 : i32
    %c0_i32_0 = arith.constant 0 : i32
    %c0_i32_1 = arith.constant 0 : i32
    return %c0_i32, %c0_i32_0 : i32, i32
  }
  func.func @transform_12(%arg0: i32) -> (i32, i32) {
    %c0_i32 = arith.constant 0 : i32
    %c0_i32_0 = arith.constant 0 : i32
    %c0_i32_1 = arith.constant 0 : i32
    return %c0_i32, %c0_i32_0 : i32, i32
  }
  func.func @transform_13(%arg0: i32) -> (i32, i32) {
    %c0_i32 = arith.constant 0 : i32
    %c0_i32_0 = arith.constant 0 : i32
    %c0_i32_1 = arith.constant 0 : i32
    return %c0_i32, %c0_i32_0 : i32, i32
  }
  func.func @transform_14(%arg0: i32) -> (i32, i32) {
    %c0_i32 = arith.constant 0 : i32
    %c0_i32_0 = arith.constant 0 : i32
    %c0_i32_1 = arith.constant 0 : i32
    return %c0_i32, %c0_i32_0 : i32, i32
  }
  func.func @transform_15(%arg0: i32) -> (i32, i32) {
    %c0_i32 = arith.constant 0 : i32
    %c0_i32_0 = arith.constant 0 : i32
    %c0_i32_1 = arith.constant 0 : i32
    return %c0_i32, %c0_i32_0 : i32, i32
  }
  func.func @transform_16(%arg0: i32) -> (i32, i32) {
    %c0_i32 = arith.constant 0 : i32
    %c0_i32_0 = arith.constant 0 : i32
    %c0_i32_1 = arith.constant 0 : i32
    return %c0_i32, %c0_i32_0 : i32, i32
  }
  func.func @transform_17(%arg0: i32) -> (i32, i32) {
    %c0_i32 = arith.constant 0 : i32
    %c0_i32_0 = arith.constant 0 : i32
    %c0_i32_1 = arith.constant 0 : i32
    return %c0_i32, %c0_i32_0 : i32, i32
  }
  func.func @transform_18(%arg0: i32) -> (i32, i32) {
    %c0_i32 = arith.constant 0 : i32
    %c0_i32_0 = arith.constant 0 : i32
    %c0_i32_1 = arith.constant 0 : i32
    return %c0_i32, %c0_i32_0 : i32, i32
  }
  func.func @transform_19(%arg0: i32) -> (i32, i32) {
    %c0_i32 = arith.constant 0 : i32
    %c0_i32_0 = arith.constant 0 : i32
    return %arg0, %c0_i32 : i32, i32
  }
}

</mosaic_0001>

<sc_bundles>
// kernel: gather_offload_async_start
scs
__scs_entry_jumppad:
0x0: {  	(pc) =	sbr.rel $0x88, $3  }
0x1: {  	(tag) =	ssettag $0x0;
	lr =	simm.s32 $0x1  }
0x2: {  	[smem:$0x3F92] =	sst lr;
	_ =	strace $0xD0000000  }
0x3: {  	_ = 	snop  }
0x4: {  	_ = 	snop  }
0x5: {  	_ = 	snop  }
0x6: {  	_ = 	snop  }
0x7: {  	_ = 	snop  }
__scs_overlays_trampoline_lowered:
0x8: {  	[smem:$0x3FA1] =	sst s0  }
0x9: {  	[smem:$0x3FA2] =	sst s1  }
0xa: {  	[smem:$0x3FA3] =	sst s2  }
0xb: {  	[smem:$0x3FA4] =	sst s3  }
0xc: {  	[smem:$0x3FA5] =	sst s4  }
0xd: {  	[smem:$0x3FA6] =	sst s5  }
0xe: {  	[smem:$0x3FA7] =	sst s6  }
0xf: {  	[smem:$0x3FA8] =	sst s7  }
0x10: {  	[smem:$0x3FA9] =	sst s8  }
0x11: {  	[smem:$0x3FAA] =	sst s9;
	s0 =	simm.s32 @!p0 $0x0  }
0x12: {  	s1 =	sld [smem:$0x3F90];
	s0 =	simm.s32 @p0 $0x1  }
0x13: {  	[smem:$0x3FAB] =	sst s0;
	s0 =	simm.s32 @!p1 $0x0  }
0x14: {  	s2 =	sld [smem:$0x3F8F];
	s0 =	simm.s32 @p1 $0x1  }
0x15: {  	[smem:$0x3FAC] =	sst s0;
	s0 =	simm.s32 @!p2 $0x0  }
0x16: {  	s3 =	sld [smem:$0x3FDB];
	s0 =	simm.s32 @p2 $0x1  }
0x17: {  	s4 =	simm.s32 $0x1BF5;
	[smem:$0x3FAE] =	sst s0  }
0x18: {  	s0 =	sld [smem:$0x3F91];
	_ =	swait.ge [sflag:s4], $0x0  }
0x19: {  	s7 =	sld [smem:$0x3F92]  }
0x1a: {  	s8 =	sadd.s32 $0xFFFFE003, lr  }
0x1b: {  	s9 =	sadd.s32 $0xFFFFFEF7, lr;
	s5 =	simm.s32 $0xFFFFFFFF;
	p2 =	slt.u32 s8, $0xFFFFF086  }
0x1c: {  	p1 =	slt.u32 s9, $0xF7A;
	s5 =	simm.s32 @!p2 $0x0  }
0x1d: {  	s5 =	simm.s32 @p1 $0x1;
	p0 =	seq.s32 s7, s2  }
0x1e: {  	s7 =	smul.u32 @!p0 $0xF7A, s2;
	p2 =	seq.s32 @!p0 s5, $0x0  }
0x1f: {  	s9 =	smul.u32 $0xF7A, s1;
	s8 =	simm.s32 @!p0 $0x1BF5;
	p2 =	por !p2, p0  }
0x20: {  	[sflag:s8] =	ssyncset.s32 @!p0 $0xFFFFF086;
	s6 =	sadd.s32 @!p0 s3, s7;
	s7 =	simm.s32 @!p0 $0x108  }
0x21: {  	s3 =	sadd.s32 s3, s9;
	s6 =	sadd.s32 @!p0 $0x88, s6;
	s7 =	simm.s32 @p2 $0x1082  }
0x22: {  	[simem:s7], [sflag:s8] =	dma.local @!p0 [hbm:s6], $0xF7A  }
0x23: {  	s9 =	sor.u32 $0xD0000000, s2;
	s6 =	simm.s32 $0x108;
	_ =	swait.ge @!p0 [sflag:s8], $0x0  }
0x24: {  	s3 =	sadd.s32 $0x88, s3;
	s6 =	simm.s32 @!p1 $0x1082;
	[sflag:s4] =	ssyncset.s32 $0xFFFFF086  }
0x25: {  	[simem:s6], [sflag:s4] =	dma.local [hbm:s3], $0xF7A  }
0x26: {  	[smem:$0x3F92] =	sst s1;
	(tag) =	ssettag s2;
	_ =	strace s9  }
0x27: {  	s1 =	sld [smem:$0x3FA2]  }
0x28: {  	s2 =	sld [smem:$0x3FA3]  }
0x29: {  	s4 =	sld [smem:$0x3FA5]  }
0x2a: {  	p0 =	seq.s32 s5, $0x0;
	s5 =	sld [smem:$0x3FA6]  }
0x2b: {  	s6 =	sld [smem:$0x3FA7]  }
0x2c: {  	s7 =	sld [smem:$0x3FA8]  }
0x2d: {  	s3 =	simm.s32 $0x108;
	s8 =	sld [smem:$0x3FA9]  }
0x2e: {  	s3 =	simm.s32 @!p0 $0x1082;
	s9 =	sld [smem:$0x3FAA]  }
0x2f: {  	lr =	sadd.s32 s0, s3;
	s0 =	sld [smem:$0x3FA1]  }
0x30: {  	s3 =	sld [smem:$0x3FA4]  }
0x31: {  	[smem:$0x3FAD] =	sst s10  }
0x32: {  	s10 =	sld [smem:$0x3FAB];
	_ =	sdelay $0x3  }
0x33: {  	p0 =	seq.s32 s10, $0x1;
	s10 =	sld [smem:$0x3FAD];
	_ =	sdelay $0x3  }
0x34: {  	[smem:$0x3FAD] =	sst s10  }
0x35: {  	s10 =	sld [smem:$0x3FAC];
	_ =	sdelay $0x3  }
0x36: {  	p1 =	seq.s32 s10, $0x1;
	s10 =	sld [smem:$0x3FAD];
	_ =	sdelay $0x3  }
0x37: {  	[smem:$0x3FAD] =	sst s10  }
0x38: {  	s10 =	sld [smem:$0x3FAE]  }
0x39: {  	_ = 	snop;
	(pc) =	sbr.ind lr, $3  }
0x3a: {  	_ = 	snop  }
0x3b: {  	_ = 	snop  }
0x3c: {  	p2 =	seq.s32 s10, $0x1;
	s10 =	sld [smem:$0x3FAD]  }
0x3d: {  	_ =	shalt  }
0x3e: {  	_ =	shalt  }
0x3f: {  	_ =	shalt  }
0x40: {  	_ =	shalt  }
0x41: {  	_ =	shalt  }
0x42: {  	_ =	shalt  }
0x43: {  	_ =	shalt  }
0x44: {  	_ =	shalt  }
0x45: {  	_ =	shalt  }
0x46: {  	_ =	shalt  }
0x47: {  	_ =	shalt  }
0x48: {  	_ =	shalt  }
0x49: {  	_ =	shalt  }
0x4a: {  	_ =	shalt  }
0x4b: {  	_ =	shalt  }
0x4c: {  	_ =	shalt  }
0x4d: {  	_ =	shalt  }
0x4e: {  	_ =	shalt  }
0x4f: {  	_ =	shalt  }
0x50: {  	_ =	shalt  }
0x51: {  	_ =	shalt  }
0x52: {  	_ =	shalt  }
0x53: {  	_ =	shalt  }
0x54: {  	_ =	shalt  }
0x55: {  	_ =	shalt  }
0x56: {  	_ =	shalt  }
0x57: {  	_ =	shalt  }
0x58: {  	_ =	shalt  }
0x59: {  	_ =	shalt  }
0x5a: {  	_ =	shalt  }
0x5b: {  	_ =	shalt  }
0x5c: {  	_ =	shalt  }
0x5d: {  	_ =	shalt  }
0x5e: {  	_ =	shalt  }
0x5f: {  	_ =	shalt  }
0x60: {  	_ =	shalt  }
0x61: {  	_ =	shalt  }
0x62: {  	_ =	shalt  }
0x63: {  	_ =	shalt  }
0x64: {  	_ =	shalt  }
0x65: {  	_ =	shalt  }
0x66: {  	_ =	shalt  }
0x67: {  	_ =	shalt  }
0x68: {  	_ =	shalt  }
0x69: {  	_ =	shalt  }
0x6a: {  	_ =	shalt  }
0x6b: {  	_ =	shalt  }
0x6c: {  	_ =	shalt  }
0x6d: {  	_ =	shalt  }
0x6e: {  	_ =	shalt  }
0x6f: {  	_ =	shalt  }
0x70: {  	_ =	shalt  }
0x71: {  	_ =	shalt  }
0x72: {  	_ =	shalt  }
0x73: {  	_ =	shalt  }
0x74: {  	_ =	shalt  }
0x75: {  	_ =	shalt  }
0x76: {  	_ =	shalt  }
0x77: {  	_ =	shalt  }
0x78: {  	_ =	shalt  }
0x79: {  	_ =	shalt  }
0x7a: {  	_ =	shalt  }
0x7b: {  	_ =	shalt  }
0x7c: {  	_ =	shalt  }
0x7d: {  	_ =	shalt  }
0x7e: {  	_ =	shalt  }
0x7f: {  	_ =	shalt  }
0x80: {  	_ =	shalt  }
0x81: {  	_ =	shalt  }
0x82: {  	_ =	shalt  }
0x83: {  	_ =	shalt  }
0x84: {  	_ =	shalt  }
0x85: {  	_ =	shalt  }
0x86: {  	_ =	shalt  }
0x87: {  	_ =	shalt  }
.Lfunc_end0:
.L_simem_size_0:
called_computation_lowered:
.L_overlay_start_0:
0x88: {  	s2 =	sld [smem:$0x3FD9]  }
0x89: {  	s3 =	sld [smem:$0x3FFE];
	_ =	sdelay $0x1  }
0x8a: {  	s1 =	srdreg.scid  }
0x8b: {  	s0 =	sand.u32 $0x1, s1  }
0x8c: {  	s17 =	sshll.u32 s0, $0xA;
	s2 =	sadd.s32 s3, s2  }
0x8d: {  	s2 =	sadd.s32 s2, s17  }
0x8e: {  	[smem:$0x3FB9] =	sst s2  }
0x8f: {  	_ = 	snop  }
0x90: {  	s2 =	sld [smem:$0x3FC5]  }
0x91: {  	s18 =	sld [smem:$0x3FD0];
	(tm) =	ssettm $0x1  }
0x92: {  	s4 =	sld [smem:$0x3FFB];
	_ =	sdelay $0x3  }
0x93: {  	_ =	strace s4  }
0x94: {  	s4 =	sld [smem:$0x3FFC];
	_ =	sdelay $0x3  }
0x95: {  	_ =	strace s4  }
0x96: {  	s4 =	sld [smem:$0x3FFD];
	_ =	sdelay $0x3  }
0x97: {  	_ =	strace s4  }
0x98: {  	_ =	strace $0x8FFFFFFF  }
0x99: {  	s19 =	sld [smem:$0x3FDB];
	_ =	sdelay $0x1  }
0x9a: {  	s5 =	simm.s32 $_scs_section_size  }
0x9b: {  	s6 =	simm.s32 $_size__tile_overlayer_lowered;
	s7 =	simm.s32 $_tile_overlayer_lowered  }
0x9c: {  	s22 =	simm.s32 $0x1BFF;
	s21 =	sshll.u32 s7, $0x1;
	s4 =	sadd.s32 s5, s19  }
0x9d: {  	s8 =	simm.s32 $0x0;
	s20 =	sshll.u32 s6, $0x1;
	s6 =	sadd.s32 s21, s4  }
0x9e: {  	[timem:s8], [sflag:s22] =	dma.local [hbm:s6], s20  }
0x9f: {  	_ =	swait.ge [sflag:s22], s20  }
0xa0: {  	s5 =	ssub.s32 $0x0, s20;
	[sflag:s22] =	ssyncset.done $0x0  }
0xa1: {  	[sflag:s22] =	ssyncadd.s32 s5;
	_ =	sdelay $0x1  }
0xa2: {  	s23 =	simm.s32 $0x1B8B  }
0xa3: {  	_ =	swait.ge [sflag:s23], $0x1  }
0xa4: {  	[sflag:s23] =	ssyncset.done $0x0  }
0xa5: {  	s25 =	simm.s32 $0x1B8E;
	s24 =	sld [smem:$0x3FFE];
	[sflag:s23] =	ssyncadd.s32 $0xFFFFFFFF  }
0xa6: {  	s26 =	simm.s32 $execute0_lowered;
	[smem:$0x3FD2] =	sst s25  }
0xa7: {  	s6 =	sshll.u32 s26, $0x1;
	_ =	strace $0x80000046;
	[dreg:$0x1] =	wrdreg $0xFFFFFFFF  }
0xa8: {  	s28 =	simm.s32 $_size_execute0_lowered;
	s4 =	sadd.s32 s4, s6;
	[dreg:$0x0] =	wrdreg $0x0  }
0xa9: {  	s6 =	sshll.u32 s28, $0x1;
	[dreg:$0x2] =	wrdreg s4  }
0xaa: {  	[dreg:$0x3] =	wrdreg s6  }
0xab: {  	[dreg:$0x4] =	wrdreg $0xC0  }
0xac: {  	_ =	task [dreg:s8], $0x5FFFF  }
0xad: {  	[dreg:$0x1] =	wrdreg $0xFFFFFFFF  }
0xae: {  	[dreg:$0x0] =	wrdreg $0x60  }
0xaf: {  	[dreg:$0x2] =	wrdreg s2  }
0xb0: {  	[dreg:$0x3] =	wrdreg s24  }
0xb1: {  	[dreg:$0x4] =	wrdreg s18  }
0xb2: {  	[dreg:$0x5] =	wrdreg $0x9  }
0xb3: {  	_ =	task.clear_ibuf [dreg:s8], $0x6FFFF;
	_ =	strace $0x90000046  }
0xb4: {  	s29 =	simm.s32 $0x9;
	_ =	strace $0x80000048  }
0xb5: {  	_ =	swait.ge [sflag:s29], $0x1  }
0xb6: {  	[sflag:s29] =	ssyncadd.s32 $0xFFFFFFFF  }
0xb7: {  	_ =	strace $0x90000048  }
0xb8: {  	_ =	sfence  }
0xb9: {  	s30 =	sld [smem:$0x0];
	_ =	sdelay $0x2  }
0xba: {  	s31 =	sshll.u32 s1, $0xD;
	s1 =	sshrl.u32 s1, $0x2  }
0xbb: {  	s3 =	sand.u32 $0x4000, s31;
	s1 =	sadd.s32 s1, s30  }
0xbc: {  	s0 =	sor.u32 s3, s0;
	s1 =	sshll.u32 s1, $0x11  }
0xbd: {  	s0 =	sor.u32 s1, s0  }
0xbe: {  	s0 =	sadd.s32 $0x8F2B, s0  }
0xbf: {  	[sflag:s0] =	ssyncadd.remote.s32 $0x1  }
0xc0: {  	_ =	sfence.sel $0xFFFF  }
0xc1: {  	[dreg:$0x0] =	wrdreg $0xFFFFFFFF;
	(pc) =	sbr.abs _section_cstart, $3  }
0xc2: {  	[dreg:$0x1] =	wrdreg $0xFFFFFFFF  }
0xc3: {  	_ =	task.clear_ibuf [dreg:s8], $0x2FFFF;
	_ =	strace $0x9FFFFFFF  }
0xc4: {  	(tm) =	ssettm $0x7FFFFFFF  }
0xc5: {  	_ =	shalt  }
tec
execute0_lowered:
.L_overlay_start_1:
0x0: {  	(tag) =	ssettag $0x1  }
0x1: {  	s2 =	rddreg [dreg:$0x0]  }
0x2: {  	s7 =	rddreg [dreg:$0x1];
	s0 =	srdreg.scid  }
0x3: {  	s3 =	rddreg [dreg:$0x2];
	s1 =	stileid.u32;
	s6 =	simm.s32 $0x2  }
0x4: {  	s11 =	simm.s32 $0x3;
	s13 =	simm.s32 $0x0;
	s4 =	sshll.u32 s0, $0x7  }
0x5: {  	s15 =	simm.s32 $0x0;
	s5 =	sshll.u32 s1, $0x8;
	s4 =	sand.u32 $0x80, s4  }
0x6: {  	s14 =	simm.s32 $0x0;
	s0 =	rddreg [dreg:$0x3];
	s4 =	sor.u32 s5, s4  }
0x7: {  	_ =	strace $0x80000047;
	s5 =	simm.s32 $0x1;
	s9 =	ssub.s32 $0x1000, s4  }
0x8: {  	s8 =	sshrl.u32 s4, $0x3;
	[sflag:s5] =	ssyncpa.u1 $0x0;
	s10 =	sand.u32 $0xF80, s9  }
.Ltmp0:
0x9: {  	[sflag:s6] =	ssyncpa.u1 $0x0;
	s9 =	sshrl.u32 s9, $0xC;
	(pc) =	sbr.rel .LBB2_1-.Ltmp0, $4  }
0xa: {  	s8 =	sadd.s32 s8, s7;
	p0 =	sne.s32 s10, $0x0;
	s10 =	simm.s32 $0x1  }
0xb: {  	[sflag:s11] =	ssyncpa.u1 $0x0;
	s8 =	sadd.s32 $0x2600, s8;
	s10 =	simm.s32 @!p0 $0x0  }
0xc: {  	s11 =	sadd.s32 $0x3000, s3;
	p0 =	por $0x0, $0x0;
	s7 =	sadd.s32 s10, s9  }
0xd: {  	vm0 =	vmmov $0xffff;
	s9 =	sadd.s32 $0x1000, s3;
	s10 =	sadd.s32 $0x2000, s3;
	s12 =	sadd.s32 $0x1, s7  }
.LBB2_4:
0xe: {  	_ =	sdelay $0x3  }
0xf: {  	[tilespmem:s19], [sflag:$0x1] =	stream.indirect_vreg.gather [hbm4b:s2+s13], $0x1, v0, vm0, $0x4038;
	[tilespmem:$0x2100] =	vst v63  }
0x10: {  	v0 =	vld.msk [tilespmem:s22+$0x0 ss:$0x1], $0xffff;
	_ =	sdelay $0x4  }
0x11: {  	vm1 =	vgt.s32 v0, $0x0  }
0x12: {  	v0 =	vnsel vm1, $0x0, v0  }
0x13: {  	v0 =	vmin.u32 v0, $0xF423F  }
0x14: {  	v1 =	vshll.u32 v0, $0x3  }
0x15: {  	v0 =	vand.u32 $0x7F, v0;
	v1 =	vand.u32 $0x7FFC00, v1  }
0x16: {  	v0 =	vor.u32 v0, v1;
	_ =	sdelay $0x2  }
0x17: {  	(ifvalue) =	ssetifvalue $0x7FFFFFFF;
	s18 =	rddreg [dreg:$0x5];
	v1 =	vor.u32 $0x80, v0  }
0x18: {  	s18 =	sadd.s32 s21, s18;
	(ifvalue) =	ssetifvalue $0x7FFFFFFF  }
0x19: {  	[tilespmem:s18], [sflag:$0x1] =	stream.indirect_vreg.gather [hbm4b:s2+s13], $0x1, v0, vm0, $0x4038;
	[tilespmem:$0x2100] =	vst v63  }
0x1a: {  	v2 =	vor.u32 $0x100, v0;
	(ifvalue) =	ssetifvalue $0x7FFFFFFF  }
0x1b: {  	s26 =	sadd.s32 $0x80, s18;
	(ifvalue) =	ssetifvalue $0x7FFFFFFF  }
0x1c: {  	[tilespmem:s26], [sflag:$0x1] =	stream.indirect_vreg.gather [hbm4b:s2+s13], $0x1, v1, vm0, $0x4038;
	[tilespmem:$0x2100] =	vst v63  }
0x1d: {  	v36 =	vor.u32 $0x180, v0;
	(ifvalue) =	ssetifvalue $0x7FFFFFFF  }
0x1e: {  	s28 =	sadd.s32 $0x100, s18;
	(ifvalue) =	ssetifvalue $0x7FFFFFFF  }
0x1f: {  	[tilespmem:s28], [sflag:$0x1] =	stream.indirect_vreg.gather [hbm4b:s2+s13], $0x1, v2, vm0, $0x4038;
	[tilespmem:$0x2100] =	vst v63  }
0x20: {  	v37 =	vor.u32 $0x200, v0;
	(ifvalue) =	ssetifvalue $0x7FFFFFFF  }
0x21: {  	s29 =	sadd.s32 $0x180, s18;
	(ifvalue) =	ssetifvalue $0x7FFFFFFF  }
0x22: {  	[tilespmem:s29], [sflag:$0x1] =	stream.indirect_vreg.gather [hbm4b:s2+s13], $0x1, v36, vm0, $0x4038;
	[tilespmem:$0x2100] =	vst v63  }
0x23: {  	v38 =	vor.u32 $0x280, v0;
	(ifvalue) =	ssetifvalue $0x7FFFFFFF  }
0x24: {  	s30 =	sadd.s32 $0x200, s18;
	(ifvalue) =	ssetifvalue $0x7FFFFFFF  }
0x25: {  	[tilespmem:s30], [sflag:$0x1] =	stream.indirect_vreg.gather [hbm4b:s2+s13], $0x1, v37, vm0, $0x4038;
	[tilespmem:$0x2100] =	vst v63  }
0x26: {  	v39 =	vor.u32 $0x300, v0;
	(ifvalue) =	ssetifvalue $0x7FFFFFFF  }
0x27: {  	s31 =	sadd.s32 $0x280, s18;
	(ifvalue) =	ssetifvalue $0x7FFFFFFF  }
0x28: {  	[tilespmem:s31], [sflag:$0x1] =	stream.indirect_vreg.gather [hbm4b:s2+s13], $0x1, v38, vm0, $0x4038;
	[tilespmem:$0x2100] =	vst v63  }
0x29: {  	v40 =	vor.u32 $0x380, v0;
	(ifvalue) =	ssetifvalue $0x7FFFFFFF  }
0x2a: {  	s20 =	sadd.s32 $0x300, s18;
	(ifvalue) =	ssetifvalue $0x7FFFFFFF  }
0x2b: {  	[tilespmem:s20], [sflag:$0x1] =	stream.indirect_vreg.gather [hbm4b:s2+s13], $0x1, v39, vm0, $0x4038;
	[tilespmem:$0x2100] =	vst v63  }
0x2c: {  	v41 =	vadd.s32 $0x7A1400, v0;
	(ifvalue) =	ssetifvalue $0x7FFFFFFF  }
0x2d: {  	s21 =	sadd.s32 $0x380, s18;
	(ifvalue) =	ssetifvalue $0x7FFFFFFF  }
0x2e: {  	[tilespmem:s21], [sflag:$0x1] =	stream.indirect_vreg.gather [hbm4b:s2+s13], $0x1, v40, vm0, $0x4038;
	[tilespmem:$0x2100] =	vst v63  }
0x2f: {  	v42 =	vadd.s32 $0x7A1480, v0;
	(ifvalue) =	ssetifvalue $0x7FFFFFFF  }
0x30: {  	s22 =	sadd.s32 $0x400, s18;
	(ifvalue) =	ssetifvalue $0x7FFFFFFF  }
0x31: {  	[tilespmem:s22], [sflag:$0x1] =	stream.indirect_vreg.gather [hbm4b:s2+s13], $0x1, v41, vm0, $0x4038;
	[tilespmem:$0x2100] =	vst v63  }
0x32: {  	v43 =	vadd.s32 $0x7A1500, v0;
	(ifvalue) =	ssetifvalue $0x7FFFFFFF  }
0x33: {  	s23 =	sadd.s32 $0x480, s18;
	(ifvalue) =	ssetifvalue $0x7FFFFFFF  }
0x34: {  	[tilespmem:s23], [sflag:$0x1] =	stream.indirect_vreg.gather [hbm4b:s2+s13], $0x1, v42, vm0, $0x4038;
	[tilespmem:$0x2100] =	vst v63  }
0x35: {  	v44 =	vadd.s32 $0x7A1580, v0;
	(ifvalue) =	ssetifvalue $0x7FFFFFFF  }
0x36: {  	s24 =	sadd.s32 $0x500, s18;
	(ifvalue) =	ssetifvalue $0x7FFFFFFF  }
0x37: {  	[tilespmem:s24], [sflag:$0x1] =	stream.indirect_vreg.gather [hbm4b:s2+s13], $0x1, v43, vm0, $0x4038;
	[tilespmem:$0x2100] =	vst v63  }
0x38: {  	v45 =	vadd.s32 $0x7A1600, v0;
	(ifvalue) =	ssetifvalue $0x7FFFFFFF  }
0x39: {  	s25 =	sadd.s32 $0x580, s18;
	(ifvalue) =	ssetifvalue $0x7FFFFFFF  }
0x3a: {  	[tilespmem:s25], [sflag:$0x1] =	stream.indirect_vreg.gather [hbm4b:s2+s13], $0x1, v44, vm0, $0x4038;
	[tilespmem:$0x2100] =	vst v63  }
0x3b: {  	v46 =	vadd.s32 $0x7A1680, v0;
	(ifvalue) =	ssetifvalue $0x7FFFFFFF  }
0x3c: {  	s26 =	sadd.s32 $0x600, s18;
	(ifvalue) =	ssetifvalue $0x7FFFFFFF  }
0x3d: {  	[tilespmem:s26], [sflag:$0x1] =	stream.indirect_vreg.gather [hbm4b:s2+s13], $0x1, v45, vm0, $0x4038;
	[tilespmem:$0x2100] =	vst v63  }
0x3e: {  	v47 =	vadd.s32 $0x7A1700, v0;
	(ifvalue) =	ssetifvalue $0x7FFFFFFF  }
0x3f: {  	s28 =	sadd.s32 $0x680, s18;
	(ifvalue) =	ssetifvalue $0x7FFFFFFF  }
0x40: {  	[tilespmem:s28], [sflag:$0x1] =	stream.indirect_vreg.gather [hbm4b:s2+s13], $0x1, v46, vm0, $0x4038;
	[tilespmem:$0x2100] =	vst v63  }
0x41: {  	v48 =	vadd.s32 $0x7A1780, v0;
	(ifvalue) =	ssetifvalue $0x7FFFFFFF  }
0x42: {  	s29 =	sadd.s32 $0x700, s18;
	(ifvalue) =	ssetifvalue $0x7FFFFFFF  }
0x43: {  	[tilespmem:s29], [sflag:$0x1] =	stream.indirect_vreg.gather [hbm4b:s2+s13], $0x1, v47, vm0, $0x4038;
	[tilespmem:$0x2100] =	vst v63  }
0x44: {  	v49 =	vadd.s32 $0xF42800, v0;
	(ifvalue) =	ssetifvalue $0x7FFFFFFF  }
0x45: {  	s30 =	sadd.s32 $0x780, s18;
	(ifvalue) =	ssetifvalue $0x7FFFFFFF  }
0x46: {  	[tilespmem:s30], [sflag:$0x1] =	stream.indirect_vreg.gather [hbm4b:s2+s13], $0x1, v48, vm0, $0x4038;
	[tilespmem:$0x2100] =	vst v63  }
0x47: {  	v50 =	vadd.s32 $0xF42880, v0;
	(ifvalue) =	ssetifvalue $0x7FFFFFFF  }
0x48: {  	s31 =	sadd.s32 $0x800, s18;
	(ifvalue) =	ssetifvalue $0x7FFFFFFF  }
0x49: {  	[tilespmem:s31], [sflag:$0x1] =	stream.indirect_vreg.gather [hbm4b:s2+s13], $0x1, v49, vm0, $0x4038;
	[tilespmem:$0x2100] =	vst v63  }
0x4a: {  	v51 =	vadd.s32 $0xF42900, v0;
	(ifvalue) =	ssetifvalue $0x7FFFFFFF  }
0x4b: {  	s20 =	sadd.s32 $0x880, s18;
	(ifvalue) =	ssetifvalue $0x7FFFFFFF  }
0x4c: {  	[tilespmem:s20], [sflag:$0x1] =	stream.indirect_vreg.gather [hbm4b:s2+s13], $0x1, v50, vm0, $0x4038;
	[tilespmem:$0x2100] =	vst v63  }
0x4d: {  	v52 =	vadd.s32 $0xF42980, v0;
	(ifvalue) =	ssetifvalue $0x7FFFFFFF  }
0x4e: {  	s21 =	sadd.s32 $0x900, s18;
	(ifvalue) =	ssetifvalue $0x7FFFFFFF  }
0x4f: {  	[tilespmem:s21], [sflag:$0x1] =	stream.indirect_vreg.gather [hbm4b:s2+s13], $0x1, v51, vm0, $0x4038;
	[tilespmem:$0x2100] =	vst v63  }
0x50: {  	v53 =	vadd.s32 $0xF42A00, v0;
	(ifvalue) =	ssetifvalue $0x7FFFFFFF  }
0x51: {  	s22 =	sadd.s32 $0x980, s18;
	(ifvalue) =	ssetifvalue $0x7FFFFFFF  }
0x52: {  	[tilespmem:s22], [sflag:$0x1] =	stream.indirect_vreg.gather [hbm4b:s2+s13], $0x1, v52, vm0, $0x4038;
	[tilespmem:$0x2100] =	vst v63  }
0x53: {  	v54 =	vadd.s32 $0xF42A80, v0;
	(ifvalue) =	ssetifvalue $0x7FFFFFFF  }
0x54: {  	s23 =	sadd.s32 $0xA00, s18;
	(ifvalue) =	ssetifvalue $0x7FFFFFFF  }
0x55: {  	[tilespmem:s23], [sflag:$0x1] =	stream.indirect_vreg.gather [hbm4b:s2+s13], $0x1, v53, vm0, $0x4038;
	[tilespmem:$0x2100] =	vst v63  }
0x56: {  	v55 =	vadd.s32 $0xF42B00, v0;
	(ifvalue) =	ssetifvalue $0x7FFFFFFF  }
0x57: {  	s24 =	sadd.s32 $0xA80, s18;
	(ifvalue) =	ssetifvalue $0x7FFFFFFF  }
0x58: {  	[tilespmem:s24], [sflag:$0x1] =	stream.indirect_vreg.gather [hbm4b:s2+s13], $0x1, v54, vm0, $0x4038;
	[tilespmem:$0x2100] =	vst v63  }
0x59: {  	v56 =	vadd.s32 $0xF42B80, v0;
	(ifvalue) =	ssetifvalue $0x7FFFFFFF  }
0x5a: {  	s25 =	sadd.s32 $0xB00, s18;
	(ifvalue) =	ssetifvalue $0x7FFFFFFF  }
0x5b: {  	[tilespmem:s25], [sflag:$0x1] =	stream.indirect_vreg.gather [hbm4b:s2+s13], $0x1, v55, vm0, $0x4038;
	[tilespmem:$0x2100] =	vst v63  }
0x5c: {  	v57 =	vadd.s32 $0x16E3C00, v0;
	(ifvalue) =	ssetifvalue $0x7FFFFFFF  }
0x5d: {  	s26 =	sadd.s32 $0xB80, s18;
	(ifvalue) =	ssetifvalue $0x7FFFFFFF  }
0x5e: {  	[tilespmem:s26], [sflag:$0x1] =	stream.indirect_vreg.gather [hbm4b:s2+s13], $0x1, v56, vm0, $0x4038;
	[tilespmem:$0x2100] =	vst v63  }
0x5f: {  	v58 =	vadd.s32 $0x16E3C80, v0;
	(ifvalue) =	ssetifvalue $0x7FFFFFFF  }
0x60: {  	s28 =	sadd.s32 $0xC00, s18;
	(ifvalue) =	ssetifvalue $0x7FFFFFFF  }
0x61: {  	[tilespmem:s28], [sflag:$0x1] =	stream.indirect_vreg.gather [hbm4b:s2+s13], $0x1, v57, vm0, $0x4038;
	[tilespmem:$0x2100] =	vst v63  }
0x62: {  	v59 =	vadd.s32 $0x16E3D00, v0;
	(ifvalue) =	ssetifvalue $0x7FFFFFFF  }
0x63: {  	s29 =	sadd.s32 $0xC80, s18;
	(ifvalue) =	ssetifvalue $0x7FFFFFFF  }
0x64: {  	[tilespmem:s29], [sflag:$0x1] =	stream.indirect_vreg.gather [hbm4b:s2+s13], $0x1, v58, vm0, $0x4038;
	[tilespmem:$0x2100] =	vst v63  }
0x65: {  	v60 =	vadd.s32 $0x16E3D80, v0;
	(ifvalue) =	ssetifvalue $0x7FFFFFFF  }
0x66: {  	s30 =	sadd.s32 $0xD00, s18;
	(ifvalue) =	ssetifvalue $0x7FFFFFFF  }
0x67: {  	[tilespmem:s30], [sflag:$0x1] =	stream.indirect_vreg.gather [hbm4b:s2+s13], $0x1, v59, vm0, $0x4038;
	[tilespmem:$0x2100] =	vst v63  }
0x68: {  	v61 =	vadd.s32 $0x16E3E00, v0;
	(ifvalue) =	ssetifvalue $0x7FFFFFFF  }
0x69: {  	s31 =	sadd.s32 $0xD80, s18;
	(ifvalue) =	ssetifvalue $0x7FFFFFFF  }
0x6a: {  	[tilespmem:s31], [sflag:$0x1] =	stream.indirect_vreg.gather [hbm4b:s2+s13], $0x1, v60, vm0, $0x4038;
	[tilespmem:$0x2100] =	vst v63  }
0x6b: {  	v62 =	vadd.s32 $0x16E3E80, v0;
	(ifvalue) =	ssetifvalue $0x7FFFFFFF  }
0x6c: {  	s20 =	sadd.s32 $0xE00, s18;
	(ifvalue) =	ssetifvalue $0x7FFFFFFF  }
0x6d: {  	[tilespmem:s20], [sflag:$0x1] =	stream.indirect_vreg.gather [hbm4b:s2+s13], $0x1, v61, vm0, $0x4038;
	[tilespmem:$0x2100] =	vst v63  }
0x6e: {  	v63 =	vadd.s32 $0x16E3F00, v0;
	(ifvalue) =	ssetifvalue $0x7FFFFFFF  }
0x6f: {  	s21 =	sadd.s32 $0xE80, s18;
	(ifvalue) =	ssetifvalue $0x7FFFFFFF  }
0x70: {  	[tilespmem:s21], [sflag:$0x1] =	stream.indirect_vreg.gather [hbm4b:s2+s13], $0x1, v62, vm0, $0x4038;
	[tilespmem:$0x2100] =	vst v63  }
0x71: {  	v0 =	vadd.s32 $0x16E3F80, v0;
	(ifvalue) =	ssetifvalue $0x7FFFFFFF  }
0x72: {  	s22 =	sadd.s32 $0xF00, s18;
	(ifvalue) =	ssetifvalue $0x7FFFFFFF  }
0x73: {  	[tilespmem:s22], [sflag:$0x1] =	stream.indirect_vreg.gather [hbm4b:s2+s13], $0x1, v63, vm0, $0x4038;
	[tilespmem:$0x2100] =	vst v63  }
0x74: {  	(ifvalue) =	ssetifvalue $0x7FFFFFFF  }
0x75: {  	s18 =	sadd.s32 $0xF80, s18;
	s23 =	sshll.u32 s15, $0x3;
	(ifvalue) =	ssetifvalue $0x7FFFFFFF  }
0x76: {  	[tilespmem:s18], [sflag:$0x1] =	stream.indirect_vreg.gather [hbm4b:s2+s13], $0x1, v0, vm0, $0x4038;
	[tilespmem:$0x2100] =	vst v63  }
0x77: {  	s24 =	sand.u32 $0x78, s15;
	s18 =	sand.u32 $0x7FFFFC00, s23  }
0x78: {  	_ =	swait.ge [sflag:s5], $0x1000;
	s15 =	sor.u32 s24, s18  }
0x79: {  	[sflag:s5] =	ssyncset.done $0x0;
	s15 =	sshrl.u32 s15, $0x3  }
0x7a: {  	[sflag:s5] =	ssyncadd.s32 $0xFFFFF000;
	s25 =	sadd.s32 s3, s15  }
0x7b: {  	[hbm:s25] =	stream.linear.scatter [tilespmem:s17], [sflag:$0x3], $0x400, $0x38;
	[tilespmem:$0x2100] =	vst v63  }
0x7c: {  	s26 =	sadd.s32 $0x500, s16;
	s28 =	sadd.s32 s15, s9  }
0x7d: {  	[hbm:s28] =	stream.linear.scatter [tilespmem:s26], [sflag:$0x3], $0x400, $0x38;
	[tilespmem:$0x2100] =	vst v63  }
0x7e: {  	s29 =	sadd.s32 $0x900, s16;
	s30 =	sadd.s32 s15, s10  }
0x7f: {  	[hbm:s30] =	stream.linear.scatter [tilespmem:s29], [sflag:$0x3], $0x400, $0x38;
	[tilespmem:$0x2100] =	vst v63  }
0x80: {  	s31 =	sadd.s32 $0xD00, s16;
	s15 =	sadd.s32 s15, s11  }
0x81: {  	[hbm:s15] =	stream.linear.scatter [tilespmem:s31], [sflag:$0x3], $0x400, $0x38;
	[tilespmem:$0x2100] =	vst v63  }
.LBB2_5:
0x82: {  	p2 =	sne.s32 s14, s12  }
.Ltmp1:
0x83: {  	p1 =	slt.u32 s14, $0x2;
	(pc) =	sbr.rel @!p2 .LBB2_6-.Ltmp1, $4  }
0x84: {  	s15 =	simm.s32 @!p1 $0x3  }
0x85: {  	_ =	swait.ge @!p1 [sflag:s15], $0x1000  }
0x86: {  	s16 =	sadd.s32 $0x1, s14;
	p0 =	por !p0, !p0;
	[sflag:s15] =	ssyncset.done @!p1 $0x0  }
0x87: {  	s14 =	smov.u32 s16;
	[sflag:s15] =	ssyncadd.s32 @!p1 $0xFFFFF000;
	s15 =	smov.u32 s4  }
.LBB2_1:
0x88: {  	p1 =	sge.u32 s14, s7  }
0x89: {  	s16 =	sxor.u32 @!p1 $0xFFFFFFFF, s14  }
0x8a: {  	s16 =	sshll.u32 @!p1 s16, $0x7  }
0x8b: {  	s31 =	sadd.s32 $0xFFFFFFFF, s14;
	s17 =	simm.s32 @!p1 $0x0;
	s16 =	sand.u32 @!p1 $0x80, s16  }
0x8c: {  	[tilespmem:s16], [sflag:$0x2] =	stream.linear.gather @!p1 [hbm4b:s8+s17], $0x80, $0x38;
	[tilespmem:$0x2100] =	vst v63  }
0x8d: {  	p1 =	sge.u32 s31, s7  }
.Ltmp2:
0x8e: {  	_ = 	snop;
	(pc) =	sbr.rel @p1 .LBB2_5-.Ltmp2, $1  }
0x8f: {  	_ =	sdelay $0x3  }
0x90: {  	s16 =	simm.s32 $0x1  }
0x91: {  	s16 =	simm.s32 @!p0 $0x0  }
0x92: {  	s17 =	sshll.u32 s16, $0xC;
	s16 =	sshll.u32 s16, $0x7  }
0x93: {  	s17 =	sor.u32 $0x100, s17;
	[dreg:$0x4] =	wrdreg s16  }
0x94: {  	[dreg:$0x5] =	wrdreg s17  }
0x95: {  	_ =	swait.ge [sflag:s6], $0x80  }
0x96: {  	s26 =	rddreg [dreg:$0x4];
	[sflag:s6] =	ssyncset.done $0x0  }
0x97: {  	[sflag:s6] =	ssyncadd.s32 $0xFFFFFF80;
	s16 =	sadd.s32 $0x0, s26  }
0x98: {  	v0 =	vld.msk [tilespmem:s16+$0x0 ss:$0x1], $0xffff;
	_ =	sdelay $0x4  }
0x99: {  	vm1 =	vgt.s32 v0, $0x0  }
0x9a: {  	v0 =	vnsel vm1, $0x0, v0  }
0x9b: {  	v0 =	vmin.u32 v0, $0xF423F  }
0x9c: {  	v1 =	vshll.u32 v0, $0x3  }
0x9d: {  	v0 =	vand.u32 $0x7F, v0;
	v1 =	vand.u32 $0x7FFC00, v1  }
0x9e: {  	v0 =	vor.u32 v0, v1;
	_ =	sdelay $0x2  }
0x9f: {  	(ifvalue) =	ssetifvalue $0x7FFFFFFF;
	s28 =	rddreg [dreg:$0x5];
	v1 =	vor.u32 $0x80, v0  }
0xa0: {  	s19 =	sadd.s32 $0x0, s28;
	(ifvalue) =	ssetifvalue $0x7FFFFFFF  }
0xa1: {  	[tilespmem:s19], [sflag:$0x1] =	stream.indirect_vreg.gather [hbm4b:s2+s13], $0x1, v0, vm0, $0x4038;
	[tilespmem:$0x2100] =	vst v63  }
0xa2: {  	v2 =	vor.u32 $0x100, v0;
	(ifvalue) =	ssetifvalue $0x7FFFFFFF  }
0xa3: {  	s16 =	sadd.s32 $0x80, s19;
	(ifvalue) =	ssetifvalue $0x7FFFFFFF  }
0xa4: {  	[tilespmem:s16], [sflag:$0x1] =	stream.indirect_vreg.gather [hbm4b:s2+s13], $0x1, v1, vm0, $0x4038;
	[tilespmem:$0x2100] =	vst v63  }
0xa5: {  	v1 =	vor.u32 $0x180, v0;
	(ifvalue) =	ssetifvalue $0x7FFFFFFF  }
0xa6: {  	s29 =	sadd.s32 $0x100, s19;
	(ifvalue) =	ssetifvalue $0x7FFFFFFF  }
0xa7: {  	[tilespmem:s29], [sflag:$0x1] =	stream.indirect_vreg.gather [hbm4b:s2+s13], $0x1, v2, vm0, $0x4038;
	[tilespmem:$0x2100] =	vst v63  }
0xa8: {  	v2 =	vor.u32 $0x200, v0;
	(ifvalue) =	ssetifvalue $0x7FFFFFFF  }
0xa9: {  	s30 =	sadd.s32 $0x180, s19;
	(ifvalue) =	ssetifvalue $0x7FFFFFFF  }
0xaa: {  	[tilespmem:s30], [sflag:$0x1] =	stream.indirect_vreg.gather [hbm4b:s2+s13], $0x1, v1, vm0, $0x4038;
	[tilespmem:$0x2100] =	vst v63  }
0xab: {  	(ifvalue) =	ssetifvalue $0x7FFFFFFF;
	v1 =	vor.u32 $0x280, v0  }
0xac: {  	s31 =	sadd.s32 $0x200, s19;
	(ifvalue) =	ssetifvalue $0x7FFFFFFF  }
0xad: {  	[tilespmem:s31], [sflag:$0x1] =	stream.indirect_vreg.gather [hbm4b:s2+s13], $0x1, v2, vm0, $0x4038;
	[tilespmem:$0x2100] =	vst v63  }
0xae: {  	(ifvalue) =	ssetifvalue $0x7FFFFFFF;
	v2 =	vor.u32 $0x300, v0  }
0xaf: {  	s17 =	sadd.s32 $0x280, s19;
	(ifvalue) =	ssetifvalue $0x7FFFFFFF  }
0xb0: {  	[tilespmem:s17], [sflag:$0x1] =	stream.indirect_vreg.gather [hbm4b:s2+s13], $0x1, v1, vm0, $0x4038;
	[tilespmem:$0x2100] =	vst v63  }
0xb1: {  	(ifvalue) =	ssetifvalue $0x7FFFFFFF;
	v1 =	vor.u32 $0x380, v0  }
0xb2: {  	s18 =	sadd.s32 $0x300, s19;
	(ifvalue) =	ssetifvalue $0x7FFFFFFF  }
0xb3: {  	[tilespmem:s18], [sflag:$0x1] =	stream.indirect_vreg.gather [hbm4b:s2+s13], $0x1, v2, vm0, $0x4038;
	[tilespmem:$0x2100] =	vst v63  }
0xb4: {  	(ifvalue) =	ssetifvalue $0x7FFFFFFF;
	v2 =	vadd.s32 $0x7A1400, v0  }
0xb5: {  	s20 =	sadd.s32 $0x380, s19;
	(ifvalue) =	ssetifvalue $0x7FFFFFFF  }
0xb6: {  	[tilespmem:s20], [sflag:$0x1] =	stream.indirect_vreg.gather [hbm4b:s2+s13], $0x1, v1, vm0, $0x4038;
	[tilespmem:$0x2100] =	vst v63  }
0xb7: {  	(ifvalue) =	ssetifvalue $0x7FFFFFFF;
	v1 =	vadd.s32 $0x7A1480, v0  }
0xb8: {  	s21 =	sadd.s32 $0x400, s19;
	(ifvalue) =	ssetifvalue $0x7FFFFFFF  }
0xb9: {  	[tilespmem:s21], [sflag:$0x1] =	stream.indirect_vreg.gather [hbm4b:s2+s13], $0x1, v2, vm0, $0x4038;
	[tilespmem:$0x2100] =	vst v63  }
0xba: {  	(ifvalue) =	ssetifvalue $0x7FFFFFFF;
	v2 =	vadd.s32 $0x7A1500, v0  }
0xbb: {  	s22 =	sadd.s32 $0x480, s19;
	(ifvalue) =	ssetifvalue $0x7FFFFFFF  }
0xbc: {  	[tilespmem:s22], [sflag:$0x1] =	stream.indirect_vreg.gather [hbm4b:s2+s13], $0x1, v1, vm0, $0x4038;
	[tilespmem:$0x2100] =	vst v63  }
0xbd: {  	(ifvalue) =	ssetifvalue $0x7FFFFFFF;
	v1 =	vadd.s32 $0x7A1580, v0  }
0xbe: {  	s23 =	sadd.s32 $0x500, s19;
	(ifvalue) =	ssetifvalue $0x7FFFFFFF  }
0xbf: {  	[tilespmem:s23], [sflag:$0x1] =	stream.indirect_vreg.gather [hbm4b:s2+s13], $0x1, v2, vm0, $0x4038;
	[tilespmem:$0x2100] =	vst v63  }
0xc0: {  	(ifvalue) =	ssetifvalue $0x7FFFFFFF;
	v2 =	vadd.s32 $0x7A1600, v0  }
0xc1: {  	s24 =	sadd.s32 $0x580, s19;
	(ifvalue) =	ssetifvalue $0x7FFFFFFF  }
0xc2: {  	[tilespmem:s24], [sflag:$0x1] =	stream.indirect_vreg.gather [hbm4b:s2+s13], $0x1, v1, vm0, $0x4038;
	[tilespmem:$0x2100] =	vst v63  }
0xc3: {  	(ifvalue) =	ssetifvalue $0x7FFFFFFF;
	v1 =	vadd.s32 $0x7A1680, v0  }
0xc4: {  	s25 =	sadd.s32 $0x600, s19;
	(ifvalue) =	ssetifvalue $0x7FFFFFFF  }
0xc5: {  	[tilespmem:s25], [sflag:$0x1] =	stream.indirect_vreg.gather [hbm4b:s2+s13], $0x1, v2, vm0, $0x4038;
	[tilespmem:$0x2100] =	vst v63  }
0xc6: {  	(ifvalue) =	ssetifvalue $0x7FFFFFFF;
	v2 =	vadd.s32 $0x7A1700, v0  }
0xc7: {  	s26 =	sadd.s32 $0x680, s19;
	(ifvalue) =	ssetifvalue $0x7FFFFFFF  }
0xc8: {  	[tilespmem:s26], [sflag:$0x1] =	stream.indirect_vreg.gather [hbm4b:s2+s13], $0x1, v1, vm0, $0x4038;
	[tilespmem:$0x2100] =	vst v63  }
0xc9: {  	(ifvalue) =	ssetifvalue $0x7FFFFFFF;
	v1 =	vadd.s32 $0x7A1780, v0  }
0xca: {  	s28 =	sadd.s32 $0x700, s19;
	(ifvalue) =	ssetifvalue $0x7FFFFFFF  }
0xcb: {  	[tilespmem:s28], [sflag:$0x1] =	stream.indirect_vreg.gather [hbm4b:s2+s13], $0x1, v2, vm0, $0x4038;
	[tilespmem:$0x2100] =	vst v63  }
0xcc: {  	(ifvalue) =	ssetifvalue $0x7FFFFFFF;
	v2 =	vadd.s32 $0xF42800, v0  }
0xcd: {  	s29 =	sadd.s32 $0x780, s19;
	(ifvalue) =	ssetifvalue $0x7FFFFFFF  }
0xce: {  	[tilespmem:s29], [sflag:$0x1] =	stream.indirect_vreg.gather [hbm4b:s2+s13], $0x1, v1, vm0, $0x4038;
	[tilespmem:$0x2100] =	vst v63  }
0xcf: {  	(ifvalue) =	ssetifvalue $0x7FFFFFFF;
	v1 =	vadd.s32 $0xF42880, v0  }
0xd0: {  	s30 =	sadd.s32 $0x800, s19;
	(ifvalue) =	ssetifvalue $0x7FFFFFFF  }
0xd1: {  	[tilespmem:s30], [sflag:$0x1] =	stream.indirect_vreg.gather [hbm4b:s2+s13], $0x1, v2, vm0, $0x4038;
	[tilespmem:$0x2100] =	vst v63  }
0xd2: {  	(ifvalue) =	ssetifvalue $0x7FFFFFFF;
	v2 =	vadd.s32 $0xF42900, v0  }
0xd3: {  	s31 =	sadd.s32 $0x880, s19;
	(ifvalue) =	ssetifvalue $0x7FFFFFFF  }
0xd4: {  	[tilespmem:s31], [sflag:$0x1] =	stream.indirect_vreg.gather [hbm4b:s2+s13], $0x1, v1, vm0, $0x4038;
	[tilespmem:$0x2100] =	vst v63  }
0xd5: {  	(ifvalue) =	ssetifvalue $0x7FFFFFFF;
	v1 =	vadd.s32 $0xF42980, v0  }
0xd6: {  	s17 =	sadd.s32 $0x900, s19;
	(ifvalue) =	ssetifvalue $0x7FFFFFFF  }
0xd7: {  	[tilespmem:s17], [sflag:$0x1] =	stream.indirect_vreg.gather [hbm4b:s2+s13], $0x1, v2, vm0, $0x4038;
	[tilespmem:$0x2100] =	vst v63  }
0xd8: {  	(ifvalue) =	ssetifvalue $0x7FFFFFFF;
	v2 =	vadd.s32 $0xF42A00, v0  }
0xd9: {  	s18 =	sadd.s32 $0x980, s19;
	(ifvalue) =	ssetifvalue $0x7FFFFFFF  }
0xda: {  	[tilespmem:s18], [sflag:$0x1] =	stream.indirect_vreg.gather [hbm4b:s2+s13], $0x1, v1, vm0, $0x4038;
	[tilespmem:$0x2100] =	vst v63  }
0xdb: {  	(ifvalue) =	ssetifvalue $0x7FFFFFFF;
	v1 =	vadd.s32 $0xF42A80, v0  }
0xdc: {  	s20 =	sadd.s32 $0xA00, s19;
	(ifvalue) =	ssetifvalue $0x7FFFFFFF  }
0xdd: {  	[tilespmem:s20], [sflag:$0x1] =	stream.indirect_vreg.gather [hbm4b:s2+s13], $0x1, v2, vm0, $0x4038;
	[tilespmem:$0x2100] =	vst v63  }
0xde: {  	(ifvalue) =	ssetifvalue $0x7FFFFFFF;
	v2 =	vadd.s32 $0xF42B00, v0  }
0xdf: {  	s21 =	sadd.s32 $0xA80, s19;
	(ifvalue) =	ssetifvalue $0x7FFFFFFF  }
0xe0: {  	[tilespmem:s21], [sflag:$0x1] =	stream.indirect_vreg.gather [hbm4b:s2+s13], $0x1, v1, vm0, $0x4038;
	[tilespmem:$0x2100] =	vst v63  }
0xe1: {  	(ifvalue) =	ssetifvalue $0x7FFFFFFF;
	v1 =	vadd.s32 $0xF42B80, v0  }
0xe2: {  	s22 =	sadd.s32 $0xB00, s19;
	(ifvalue) =	ssetifvalue $0x7FFFFFFF  }
0xe3: {  	[tilespmem:s22], [sflag:$0x1] =	stream.indirect_vreg.gather [hbm4b:s2+s13], $0x1, v2, vm0, $0x4038;
	[tilespmem:$0x2100] =	vst v63  }
0xe4: {  	(ifvalue) =	ssetifvalue $0x7FFFFFFF;
	v2 =	vadd.s32 $0x16E3C00, v0  }
0xe5: {  	s23 =	sadd.s32 $0xB80, s19;
	(ifvalue) =	ssetifvalue $0x7FFFFFFF  }
0xe6: {  	[tilespmem:s23], [sflag:$0x1] =	stream.indirect_vreg.gather [hbm4b:s2+s13], $0x1, v1, vm0, $0x4038;
	[tilespmem:$0x2100] =	vst v63  }
0xe7: {  	(ifvalue) =	ssetifvalue $0x7FFFFFFF;
	v1 =	vadd.s32 $0x16E3C80, v0  }
0xe8: {  	s24 =	sadd.s32 $0xC00, s19;
	(ifvalue) =	ssetifvalue $0x7FFFFFFF  }
0xe9: {  	[tilespmem:s24], [sflag:$0x1] =	stream.indirect_vreg.gather [hbm4b:s2+s13], $0x1, v2, vm0, $0x4038;
	[tilespmem:$0x2100] =	vst v63  }
0xea: {  	(ifvalue) =	ssetifvalue $0x7FFFFFFF;
	v2 =	vadd.s32 $0x16E3D00, v0  }
0xeb: {  	s25 =	sadd.s32 $0xC80, s19;
	(ifvalue) =	ssetifvalue $0x7FFFFFFF  }
0xec: {  	[tilespmem:s25], [sflag:$0x1] =	stream.indirect_vreg.gather [hbm4b:s2+s13], $0x1, v1, vm0, $0x4038;
	[tilespmem:$0x2100] =	vst v63  }
0xed: {  	(ifvalue) =	ssetifvalue $0x7FFFFFFF;
	v1 =	vadd.s32 $0x16E3D80, v0  }
0xee: {  	s26 =	sadd.s32 $0xD00, s19;
	(ifvalue) =	ssetifvalue $0x7FFFFFFF  }
0xef: {  	[tilespmem:s26], [sflag:$0x1] =	stream.indirect_vreg.gather [hbm4b:s2+s13], $0x1, v2, vm0, $0x4038;
	[tilespmem:$0x2100] =	vst v63  }
0xf0: {  	(ifvalue) =	ssetifvalue $0x7FFFFFFF;
	v2 =	vadd.s32 $0x16E3E00, v0  }
0xf1: {  	s28 =	sadd.s32 $0xD80, s19;
	(ifvalue) =	ssetifvalue $0x7FFFFFFF  }
0xf2: {  	[tilespmem:s28], [sflag:$0x1] =	stream.indirect_vreg.gather [hbm4b:s2+s13], $0x1, v1, vm0, $0x4038;
	[tilespmem:$0x2100] =	vst v63  }
0xf3: {  	(ifvalue) =	ssetifvalue $0x7FFFFFFF;
	v1 =	vadd.s32 $0x16E3E80, v0  }
0xf4: {  	s29 =	sadd.s32 $0xE00, s19;
	(ifvalue) =	ssetifvalue $0x7FFFFFFF  }
0xf5: {  	[tilespmem:s29], [sflag:$0x1] =	stream.indirect_vreg.gather [hbm4b:s2+s13], $0x1, v2, vm0, $0x4038;
	[tilespmem:$0x2100] =	vst v63  }
0xf6: {  	s31 =	sshll.u32 s14, $0xC;
	(ifvalue) =	ssetifvalue $0x7FFFFFFF;
	v2 =	vadd.s32 $0x16E3F00, v0  }
0xf7: {  	s30 =	sadd.s32 $0xE80, s19;
	s16 =	sand.u32 $0x1000, s31;
	(ifvalue) =	ssetifvalue $0x7FFFFFFF  }
0xf8: {  	[tilespmem:s30], [sflag:$0x1] =	stream.indirect_vreg.gather [hbm4b:s2+s13], $0x1, v1, vm0, $0x4038;
	[tilespmem:$0x2100] =	vst v63  }
0xf9: {  	s17 =	sor.u32 $0x100, s16;
	v0 =	vadd.s32 $0x16E3F80, v0;
	(ifvalue) =	ssetifvalue $0x7FFFFFFF  }
0xfa: {  	s18 =	sadd.s32 $0xF00, s19;
	s20 =	rddreg [dreg:$0x4];
	(ifvalue) =	ssetifvalue $0x7FFFFFFF  }
0xfb: {  	[tilespmem:s18], [sflag:$0x1] =	stream.indirect_vreg.gather [hbm4b:s2+s13], $0x1, v2, vm0, $0x4038;
	[tilespmem:$0x2100] =	vst v63  }
0xfc: {  	s19 =	sadd.s32 $0xF80, s19;
	s21 =	simm.s32 $0x10;
	(ifvalue) =	ssetifvalue $0x7FFFFFFF  }
0xfd: {  	s22 =	sadd.s32 $0x10, s20;
	s18 =	simm.s32 $0x80;
	(ifvalue) =	ssetifvalue $0x7FFFFFFF  }
.LBB2_3:
0xfe: {  	[tilespmem:s19], [sflag:$0x1] =	stream.indirect_vreg.gather [hbm4b:s2+s13], $0x1, v0, vm0, $0x4038;
	[tilespmem:$0x2100] =	vst v63  }
0xff: {  	v0 =	vld.msk [tilespmem:s22+$0x0 ss:$0x1], $0xffff;
	_ =	sdelay $0x4  }
0x100: {  	vm1 =	vgt.s32 v0, $0x0  }
0x101: {  	v0 =	vnsel vm1, $0x0, v0  }
0x102: {  	v0 =	vmin.u32 v0, $0xF423F  }
0x103: {  	v1 =	vshll.u32 v0, $0x3  }
0x104: {  	v0 =	vand.u32 $0x7F, v0;
	v1 =	vand.u32 $0x7FFC00, v1  }
0x105: {  	v0 =	vor.u32 v0, v1;
	_ =	sdelay $0x2  }
0x106: {  	(ifvalue) =	ssetifvalue $0x7FFFFFFF;
	s20 =	rddreg [dreg:$0x5];
	v1 =	vor.u32 $0x80, v0  }
0x107: {  	s20 =	sadd.s32 s21, s20;
	(ifvalue) =	ssetifvalue $0x7FFFFFFF  }
0x108: {  	[tilespmem:s20], [sflag:$0x1] =	stream.indirect_vreg.gather [hbm4b:s2+s13], $0x1, v0, vm0, $0x4038;
	[tilespmem:$0x2100] =	vst v63  }
0x109: {  	v2 =	vor.u32 $0x100, v0;
	(ifvalue) =	ssetifvalue $0x7FFFFFFF  }
0x10a: {  	s21 =	sadd.s32 $0x80, s20;
	(ifvalue) =	ssetifvalue $0x7FFFFFFF  }
0x10b: {  	[tilespmem:s21], [sflag:$0x1] =	stream.indirect_vreg.gather [hbm4b:s2+s13], $0x1, v1, vm0, $0x4038;
	[tilespmem:$0x2100] =	vst v63  }
0x10c: {  	v1 =	vor.u32 $0x180, v0;
	(ifvalue) =	ssetifvalue $0x7FFFFFFF  }
0x10d: {  	s29 =	sadd.s32 $0x100, s20;
	(ifvalue) =	ssetifvalue $0x7FFFFFFF  }
0x10e: {  	[tilespmem:s29], [sflag:$0x1] =	stream.indirect_vreg.gather [hbm4b:s2+s13], $0x1, v2, vm0, $0x4038;
	[tilespmem:$0x2100] =	vst v63  }
0x10f: {  	v2 =	vor.u32 $0x200, v0;
	(ifvalue) =	ssetifvalue $0x7FFFFFFF  }
0x110: {  	s30 =	sadd.s32 $0x180, s20;
	(ifvalue) =	ssetifvalue $0x7FFFFFFF  }
0x111: {  	[tilespmem:s30], [sflag:$0x1] =	stream.indirect_vreg.gather [hbm4b:s2+s13], $0x1, v1, vm0, $0x4038;
	[tilespmem:$0x2100] =	vst v63  }
0x112: {  	(ifvalue) =	ssetifvalue $0x7FFFFFFF;
	v1 =	vor.u32 $0x280, v0  }
0x113: {  	s31 =	sadd.s32 $0x200, s20;
	(ifvalue) =	ssetifvalue $0x7FFFFFFF  }
0x114: {  	[tilespmem:s31], [sflag:$0x1] =	stream.indirect_vreg.gather [hbm4b:s2+s13], $0x1, v2, vm0, $0x4038;
	[tilespmem:$0x2100] =	vst v63  }
0x115: {  	(ifvalue) =	ssetifvalue $0x7FFFFFFF;
	v2 =	vor.u32 $0x300, v0  }
0x116: {  	s22 =	sadd.s32 $0x280, s20;
	(ifvalue) =	ssetifvalue $0x7FFFFFFF  }
0x117: {  	[tilespmem:s22], [sflag:$0x1] =	stream.indirect_vreg.gather [hbm4b:s2+s13], $0x1, v1, vm0, $0x4038;
	[tilespmem:$0x2100] =	vst v63  }
0x118: {  	(ifvalue) =	ssetifvalue $0x7FFFFFFF;
	v1 =	vor.u32 $0x380, v0  }
0x119: {  	s23 =	sadd.s32 $0x300, s20;
	(ifvalue) =	ssetifvalue $0x7FFFFFFF  }
0x11a: {  	[tilespmem:s23], [sflag:$0x1] =	stream.indirect_vreg.gather [hbm4b:s2+s13], $0x1, v2, vm0, $0x4038;
	[tilespmem:$0x2100] =	vst v63  }
0x11b: {  	(ifvalue) =	ssetifvalue $0x7FFFFFFF;
	v2 =	vadd.s32 $0x7A1400, v0  }
0x11c: {  	s24 =	sadd.s32 $0x380, s20;
	(ifvalue) =	ssetifvalue $0x7FFFFFFF  }
0x11d: {  	[tilespmem:s24], [sflag:$0x1] =	stream.indirect_vreg.gather [hbm4b:s2+s13], $0x1, v1, vm0, $0x4038;
	[tilespmem:$0x2100] =	vst v63  }
0x11e: {  	(ifvalue) =	ssetifvalue $0x7FFFFFFF;
	v1 =	vadd.s32 $0x7A1480, v0  }
0x11f: {  	s25 =	sadd.s32 $0x400, s20;
	(ifvalue) =	ssetifvalue $0x7FFFFFFF  }
0x120: {  	[tilespmem:s25], [sflag:$0x1] =	stream.indirect_vreg.gather [hbm4b:s2+s13], $0x1, v2, vm0, $0x4038;
	[tilespmem:$0x2100] =	vst v63  }
0x121: {  	(ifvalue) =	ssetifvalue $0x7FFFFFFF;
	v2 =	vadd.s32 $0x7A1500, v0  }
0x122: {  	s26 =	sadd.s32 $0x480, s20;
	(ifvalue) =	ssetifvalue $0x7FFFFFFF  }
0x123: {  	[tilespmem:s26], [sflag:$0x1] =	stream.indirect_vreg.gather [hbm4b:s2+s13], $0x1, v1, vm0, $0x4038;
	[tilespmem:$0x2100] =	vst v63  }
0x124: {  	(ifvalue) =	ssetifvalue $0x7FFFFFFF;
	v1 =	vadd.s32 $0x7A1580, v0  }
0x125: {  	s28 =	sadd.s32 $0x500, s20;
	(ifvalue) =	ssetifvalue $0x7FFFFFFF  }
0x126: {  	[tilespmem:s28], [sflag:$0x1] =	stream.indirect_vreg.gather [hbm4b:s2+s13], $0x1, v2, vm0, $0x4038;
	[tilespmem:$0x2100] =	vst v63  }
0x127: {  	(ifvalue) =	ssetifvalue $0x7FFFFFFF;
	v2 =	vadd.s32 $0x7A1600, v0  }
0x128: {  	s29 =	sadd.s32 $0x580, s20;
	(ifvalue) =	ssetifvalue $0x7FFFFFFF  }
0x129: {  	[tilespmem:s29], [sflag:$0x1] =	stream.indirect_vreg.gather [hbm4b:s2+s13], $0x1, v1, vm0, $0x4038;
	[tilespmem:$0x2100] =	vst v63  }
0x12a: {  	(ifvalue) =	ssetifvalue $0x7FFFFFFF;
	v1 =	vadd.s32 $0x7A1680, v0  }
0x12b: {  	s30 =	sadd.s32 $0x600, s20;
	(ifvalue) =	ssetifvalue $0x7FFFFFFF  }
0x12c: {  	[tilespmem:s30], [sflag:$0x1] =	stream.indirect_vreg.gather [hbm4b:s2+s13], $0x1, v2, vm0, $0x4038;
	[tilespmem:$0x2100] =	vst v63  }
0x12d: {  	(ifvalue) =	ssetifvalue $0x7FFFFFFF;
	v2 =	vadd.s32 $0x7A1700, v0  }
0x12e: {  	s31 =	sadd.s32 $0x680, s20;
	(ifvalue) =	ssetifvalue $0x7FFFFFFF  }
0x12f: {  	[tilespmem:s31], [sflag:$0x1] =	stream.indirect_vreg.gather [hbm4b:s2+s13], $0x1, v1, vm0, $0x4038;
	[tilespmem:$0x2100] =	vst v63  }
0x130: {  	(ifvalue) =	ssetifvalue $0x7FFFFFFF;
	v1 =	vadd.s32 $0x7A1780, v0  }
0x131: {  	s22 =	sadd.s32 $0x700, s20;
	(ifvalue) =	ssetifvalue $0x7FFFFFFF  }
0x132: {  	[tilespmem:s22], [sflag:$0x1] =	stream.indirect_vreg.gather [hbm4b:s2+s13], $0x1, v2, vm0, $0x4038;
	[tilespmem:$0x2100] =	vst v63  }
0x133: {  	(ifvalue) =	ssetifvalue $0x7FFFFFFF;
	v2 =	vadd.s32 $0xF42800, v0  }
0x134: {  	s23 =	sadd.s32 $0x780, s20;
	(ifvalue) =	ssetifvalue $0x7FFFFFFF  }
0x135: {  	[tilespmem:s23], [sflag:$0x1] =	stream.indirect_vreg.gather [hbm4b:s2+s13], $0x1, v1, vm0, $0x4038;
	[tilespmem:$0x2100] =	vst v63  }
0x136: {  	(ifvalue) =	ssetifvalue $0x7FFFFFFF;
	v1 =	vadd.s32 $0xF42880, v0  }
0x137: {  	s24 =	sadd.s32 $0x800, s20;
	(ifvalue) =	ssetifvalue $0x7FFFFFFF  }
0x138: {  	[tilespmem:s24], [sflag:$0x1] =	stream.indirect_vreg.gather [hbm4b:s2+s13], $0x1, v2, vm0, $0x4038;
	[tilespmem:$0x2100] =	vst v63  }
0x139: {  	(ifvalue) =	ssetifvalue $0x7FFFFFFF;
	v2 =	vadd.s32 $0xF42900, v0  }
0x13a: {  	s25 =	sadd.s32 $0x880, s20;
	(ifvalue) =	ssetifvalue $0x7FFFFFFF  }
0x13b: {  	[tilespmem:s25], [sflag:$0x1] =	stream.indirect_vreg.gather [hbm4b:s2+s13], $0x1, v1, vm0, $0x4038;
	[tilespmem:$0x2100] =	vst v63  }
0x13c: {  	(ifvalue) =	ssetifvalue $0x7FFFFFFF;
	v1 =	vadd.s32 $0xF42980, v0  }
0x13d: {  	s26 =	sadd.s32 $0x900, s20;
	(ifvalue) =	ssetifvalue $0x7FFFFFFF  }
0x13e: {  	[tilespmem:s26], [sflag:$0x1] =	stream.indirect_vreg.gather [hbm4b:s2+s13], $0x1, v2, vm0, $0x4038;
	[tilespmem:$0x2100] =	vst v63  }
0x13f: {  	(ifvalue) =	ssetifvalue $0x7FFFFFFF;
	v2 =	vadd.s32 $0xF42A00, v0  }
0x140: {  	s28 =	sadd.s32 $0x980, s20;
	(ifvalue) =	ssetifvalue $0x7FFFFFFF  }
0x141: {  	[tilespmem:s28], [sflag:$0x1] =	stream.indirect_vreg.gather [hbm4b:s2+s13], $0x1, v1, vm0, $0x4038;
	[tilespmem:$0x2100] =	vst v63  }
0x142: {  	(ifvalue) =	ssetifvalue $0x7FFFFFFF;
	v1 =	vadd.s32 $0xF42A80, v0  }
0x143: {  	s29 =	sadd.s32 $0xA00, s20;
	(ifvalue) =	ssetifvalue $0x7FFFFFFF  }
0x144: {  	[tilespmem:s29], [sflag:$0x1] =	stream.indirect_vreg.gather [hbm4b:s2+s13], $0x1, v2, vm0, $0x4038;
	[tilespmem:$0x2100] =	vst v63  }
0x145: {  	(ifvalue) =	ssetifvalue $0x7FFFFFFF;
	v2 =	vadd.s32 $0xF42B00, v0  }
0x146: {  	s30 =	sadd.s32 $0xA80, s20;
	(ifvalue) =	ssetifvalue $0x7FFFFFFF  }
0x147: {  	[tilespmem:s30], [sflag:$0x1] =	stream.indirect_vreg.gather [hbm4b:s2+s13], $0x1, v1, vm0, $0x4038;
	[tilespmem:$0x2100] =	vst v63  }
0x148: {  	(ifvalue) =	ssetifvalue $0x7FFFFFFF;
	v1 =	vadd.s32 $0xF42B80, v0  }
0x149: {  	s31 =	sadd.s32 $0xB00, s20;
	(ifvalue) =	ssetifvalue $0x7FFFFFFF  }
0x14a: {  	[tilespmem:s31], [sflag:$0x1] =	stream.indirect_vreg.gather [hbm4b:s2+s13], $0x1, v2, vm0, $0x4038;
	[tilespmem:$0x2100] =	vst v63  }
0x14b: {  	(ifvalue) =	ssetifvalue $0x7FFFFFFF;
	v2 =	vadd.s32 $0x16E3C00, v0  }
0x14c: {  	s22 =	sadd.s32 $0xB80, s20;
	(ifvalue) =	ssetifvalue $0x7FFFFFFF  }
0x14d: {  	[tilespmem:s22], [sflag:$0x1] =	stream.indirect_vreg.gather [hbm4b:s2+s13], $0x1, v1, vm0, $0x4038;
	[tilespmem:$0x2100] =	vst v63  }
0x14e: {  	(ifvalue) =	ssetifvalue $0x7FFFFFFF;
	v1 =	vadd.s32 $0x16E3C80, v0  }
0x14f: {  	s23 =	sadd.s32 $0xC00, s20;
	(ifvalue) =	ssetifvalue $0x7FFFFFFF  }
0x150: {  	[tilespmem:s23], [sflag:$0x1] =	stream.indirect_vreg.gather [hbm4b:s2+s13], $0x1, v2, vm0, $0x4038;
	[tilespmem:$0x2100] =	vst v63  }
0x151: {  	(ifvalue) =	ssetifvalue $0x7FFFFFFF;
	v2 =	vadd.s32 $0x16E3D00, v0  }
0x152: {  	s24 =	sadd.s32 $0xC80, s20;
	(ifvalue) =	ssetifvalue $0x7FFFFFFF  }
0x153: {  	[tilespmem:s24], [sflag:$0x1] =	stream.indirect_vreg.gather [hbm4b:s2+s13], $0x1, v1, vm0, $0x4038;
	[tilespmem:$0x2100] =	vst v63  }
0x154: {  	(ifvalue) =	ssetifvalue $0x7FFFFFFF;
	v1 =	vadd.s32 $0x16E3D80, v0  }
0x155: {  	s25 =	sadd.s32 $0xD00, s20;
	(ifvalue) =	ssetifvalue $0x7FFFFFFF  }
0x156: {  	[tilespmem:s25], [sflag:$0x1] =	stream.indirect_vreg.gather [hbm4b:s2+s13], $0x1, v2, vm0, $0x4038;
	[tilespmem:$0x2100] =	vst v63  }
0x157: {  	(ifvalue) =	ssetifvalue $0x7FFFFFFF;
	v2 =	vadd.s32 $0x16E3E00, v0  }
0x158: {  	s26 =	sadd.s32 $0xD80, s20;
	(ifvalue) =	ssetifvalue $0x7FFFFFFF  }
0x159: {  	[tilespmem:s26], [sflag:$0x1] =	stream.indirect_vreg.gather [hbm4b:s2+s13], $0x1, v1, vm0, $0x4038;
	[tilespmem:$0x2100] =	vst v63  }
0x15a: {  	(ifvalue) =	ssetifvalue $0x7FFFFFFF;
	v1 =	vadd.s32 $0x16E3E80, v0  }
0x15b: {  	s28 =	sadd.s32 $0xE00, s20;
	(ifvalue) =	ssetifvalue $0x7FFFFFFF  }
0x15c: {  	[tilespmem:s28], [sflag:$0x1] =	stream.indirect_vreg.gather [hbm4b:s2+s13], $0x1, v2, vm0, $0x4038;
	[tilespmem:$0x2100] =	vst v63  }
0x15d: {  	(ifvalue) =	ssetifvalue $0x7FFFFFFF;
	v2 =	vadd.s32 $0x16E3F00, v0  }
0x15e: {  	p1 =	sne.s32 s18, $0x1C0;
	s29 =	sadd.s32 $0xE80, s20;
	(ifvalue) =	ssetifvalue $0x7FFFFFFF  }
0x15f: {  	[tilespmem:s29], [sflag:$0x1] =	stream.indirect_vreg.gather [hbm4b:s2+s13], $0x1, v1, vm0, $0x4038;
	[tilespmem:$0x2100] =	vst v63  }
.Ltmp3:
0x160: {  	s19 =	smov.u32 s18;
	(ifvalue) =	ssetifvalue $0x7FFFFFFF;
	(pc) =	sbr.rel @p1 .LBB2_3-.Ltmp3, $4  }
0x161: {  	s31 =	sadd.s32 $0xF00, s20;
	s30 =	rddreg [dreg:$0x4];
	(ifvalue) =	ssetifvalue $0x7FFFFFFF  }
0x162: {  	[tilespmem:s31], [sflag:$0x1] =	stream.indirect_vreg.gather [hbm4b:s2+s13], $0x1, v2, vm0, $0x4038;
	[tilespmem:$0x2100] =	vst v63  }
0x163: {  	s18 =	sadd.s32 $0x40, s18;
	s21 =	sshra.s32 s19, $0x2;
	(ifvalue) =	ssetifvalue $0x7FFFFFFF  }
0x164: {  	s19 =	sadd.s32 $0xF80, s20;
	v0 =	vadd.s32 $0x16E3F80, v0;
	s22 =	sadd.s32 s21, s30;
	(ifvalue) =	ssetifvalue $0x7FFFFFFF  }
.Ltmp4:
0x165: {  	_ = 	snop;
	(pc) =	sbr.rel .LBB2_4-.Ltmp4, $1  }
0x166: {  	_ =	sdelay $0x3  }
.LBB2_6:
0x167: {  	_ =	sfence.sel $0x180000  }
0x168: {  	s2 =	simm.s32 $0x2;
	[bflag:$0x0] =	sbarrier.arrive $0xFFFF  }
0x169: {  	s30 =	simm.s32 $0x3;
	[sflag:s2] =	ssyncpa.u1 $0x1  }
0x16a: {  	s31 =	simm.s32 $0x1;
	[sflag:s30] =	ssyncpa.u1 $0x1  }
0x16b: {  	[sflag:s31] =	ssyncpa.u1 $0x1  }
0x16c: {  	p0 =	sne.s32 s1, $0x0;
	_ =	strace $0x90000047  }
0x16d: {  	s0 =	sadd.s32 @!p0 $0x100000, s0;
	[bflag:$0x2] =	sbarrier.arrive $0xFFFF  }
0x16e: {  	[sflag:s0] =	ssyncadd.tile.s32 @!p0 $0x1;
	_ =	shalt  }
.Lfunc_end2:
_tile_overlayer_lowered:
.L_overlay_start_2:
0x16f: {  	(tag) =	ssettag $0x2  }
0x170: {  	s0 =	rddreg [dreg:$0x0];
	s2 =	stileid.u32  }
0x171: {  	s1 =	rddreg [dreg:$0x1];
	p0 =	sne.s32 s2, $0x0  }
0x172: {  	s3 =	rddreg [dreg:$0x2];
	[bflag:$0x3] =	sbarrier.arrive $0xFFFF;
	s2 =	simm.s32 @!p0 $0x1C01  }
0x173: {  	[timem:s3], [sflag:s2] =	dma.local @!p0 [hbm:s0], s1  }
0x174: {  	s0 =	simm.s32 @!p0 $0x1  }
0x175: {  	_ =	swait.ge @!p0 [sflag:s0], s1  }
0x176: {  	s1 =	ssub.s32 @!p0 $0x0, s1;
	[sflag:s0] =	ssyncset.done @!p0 $0x0  }
0x177: {  	[sflag:s0] =	ssyncadd.s32 @!p0 s1  }
0x178: {  	[bflag:$0x3] =	sbarrier.arrive $0xFFFF  }
0x179: {  	_ =	shalt  }

// kernel: kernel.5.cloned.1.call-start
scs
__scs_entry_jumppad:
0x0: {  	(pc) =	sbr.rel $0x88, $3  }
0x1: {  	(tag) =	ssettag $0x0;
	lr =	simm.s32 $0x1  }
0x2: {  	[smem:$0x3F92] =	sst lr;
	_ =	strace $0xD0000000  }
0x3: {  	_ = 	snop  }
0x4: {  	_ = 	snop  }
0x5: {  	_ = 	snop  }
0x6: {  	_ = 	snop  }
0x7: {  	_ = 	snop  }
__scs_overlays_trampoline_lowered:
0x8: {  	[smem:$0x3FA1] =	sst s0  }
0x9: {  	[smem:$0x3FA2] =	sst s1  }
0xa: {  	[smem:$0x3FA3] =	sst s2  }
0xb: {  	[smem:$0x3FA4] =	sst s3  }
0xc: {  	[smem:$0x3FA5] =	sst s4  }
0xd: {  	[smem:$0x3FA6] =	sst s5  }
0xe: {  	[smem:$0x3FA7] =	sst s6  }
0xf: {  	[smem:$0x3FA8] =	sst s7  }
0x10: {  	[smem:$0x3FA9] =	sst s8  }
0x11: {  	[smem:$0x3FAA] =	sst s9;
	s0 =	simm.s32 @!p0 $0x0  }
0x12: {  	s1 =	sld [smem:$0x3F90];
	s0 =	simm.s32 @p0 $0x1  }
0x13: {  	[smem:$0x3FAB] =	sst s0;
	s0 =	simm.s32 @!p1 $0x0  }
0x14: {  	s2 =	sld [smem:$0x3F8F];
	s0 =	simm.s32 @p1 $0x1  }
0x15: {  	[smem:$0x3FAC] =	sst s0;
	s0 =	simm.s32 @!p2 $0x0  }
0x16: {  	s3 =	sld [smem:$0x3FDB];
	s0 =	simm.s32 @p2 $0x1  }
0x17: {  	s4 =	simm.s32 $0x1BF5;
	[smem:$0x3FAE] =	sst s0  }
0x18: {  	s0 =	sld [smem:$0x3F91];
	_ =	swait.ge [sflag:s4], $0x0  }
0x19: {  	s7 =	sld [smem:$0x3F92]  }
0x1a: {  	s8 =	sadd.s32 $0xFFFFE003, lr  }
0x1b: {  	s9 =	sadd.s32 $0xFFFFFEF7, lr;
	s5 =	simm.s32 $0xFFFFFFFF;
	p2 =	slt.u32 s8, $0xFFFFF086  }
0x1c: {  	p1 =	slt.u32 s9, $0xF7A;
	s5 =	simm.s32 @!p2 $0x0  }
0x1d: {  	s5 =	simm.s32 @p1 $0x1;
	p0 =	seq.s32 s7, s2  }
0x1e: {  	s7 =	smul.u32 @!p0 $0xF7A, s2;
	p2 =	seq.s32 @!p0 s5, $0x0  }
0x1f: {  	s9 =	smul.u32 $0xF7A, s1;
	s8 =	simm.s32 @!p0 $0x1BF5;
	p2 =	por !p2, p0  }
0x20: {  	[sflag:s8] =	ssyncset.s32 @!p0 $0xFFFFF086;
	s6 =	sadd.s32 @!p0 s3, s7;
	s7 =	simm.s32 @!p0 $0x108  }
0x21: {  	s3 =	sadd.s32 s3, s9;
	s6 =	sadd.s32 @!p0 $0x88, s6;
	s7 =	simm.s32 @p2 $0x1082  }
0x22: {  	[simem:s7], [sflag:s8] =	dma.local @!p0 [hbm:s6], $0xF7A  }
0x23: {  	s9 =	sor.u32 $0xD0000000, s2;
	s6 =	simm.s32 $0x108;
	_ =	swait.ge @!p0 [sflag:s8], $0x0  }
0x24: {  	s3 =	sadd.s32 $0x88, s3;
	s6 =	simm.s32 @!p1 $0x1082;
	[sflag:s4] =	ssyncset.s32 $0xFFFFF086  }
0x25: {  	[simem:s6], [sflag:s4] =	dma.local [hbm:s3], $0xF7A  }
0x26: {  	[smem:$0x3F92] =	sst s1;
	(tag) =	ssettag s2;
	_ =	strace s9  }
0x27: {  	s1 =	sld [smem:$0x3FA2]  }
0x28: {  	s2 =	sld [smem:$0x3FA3]  }
0x29: {  	s4 =	sld [smem:$0x3FA5]  }
0x2a: {  	p0 =	seq.s32 s5, $0x0;
	s5 =	sld [smem:$0x3FA6]  }
0x2b: {  	s6 =	sld [smem:$0x3FA7]  }
0x2c: {  	s7 =	sld [smem:$0x3FA8]  }
0x2d: {  	s3 =	simm.s32 $0x108;
	s8 =	sld [smem:$0x3FA9]  }
0x2e: {  	s3 =	simm.s32 @!p0 $0x1082;
	s9 =	sld [smem:$0x3FAA]  }
0x2f: {  	lr =	sadd.s32 s0, s3;
	s0 =	sld [smem:$0x3FA1]  }
0x30: {  	s3 =	sld [smem:$0x3FA4]  }
0x31: {  	[smem:$0x3FAD] =	sst s10  }
0x32: {  	s10 =	sld [smem:$0x3FAB];
	_ =	sdelay $0x3  }
0x33: {  	p0 =	seq.s32 s10, $0x1;
	s10 =	sld [smem:$0x3FAD];
	_ =	sdelay $0x3  }
0x34: {  	[smem:$0x3FAD] =	sst s10  }
0x35: {  	s10 =	sld [smem:$0x3FAC];
	_ =	sdelay $0x3  }
0x36: {  	p1 =	seq.s32 s10, $0x1;
	s10 =	sld [smem:$0x3FAD];
	_ =	sdelay $0x3  }
0x37: {  	[smem:$0x3FAD] =	sst s10  }
0x38: {  	s10 =	sld [smem:$0x3FAE]  }
0x39: {  	_ = 	snop;
	(pc) =	sbr.ind lr, $3  }
0x3a: {  	_ = 	snop  }
0x3b: {  	_ = 	snop  }
0x3c: {  	p2 =	seq.s32 s10, $0x1;
	s10 =	sld [smem:$0x3FAD]  }
0x3d: {  	_ =	shalt  }
0x3e: {  	_ =	shalt  }
0x3f: {  	_ =	shalt  }
0x40: {  	_ =	shalt  }
0x41: {  	_ =	shalt  }
0x42: {  	_ =	shalt  }
0x43: {  	_ =	shalt  }
0x44: {  	_ =	shalt  }
0x45: {  	_ =	shalt  }
0x46: {  	_ =	shalt  }
0x47: {  	_ =	shalt  }
0x48: {  	_ =	shalt  }
0x49: {  	_ =	shalt  }
0x4a: {  	_ =	shalt  }
0x4b: {  	_ =	shalt  }
0x4c: {  	_ =	shalt  }
0x4d: {  	_ =	shalt  }
0x4e: {  	_ =	shalt  }
0x4f: {  	_ =	shalt  }
0x50: {  	_ =	shalt  }
0x51: {  	_ =	shalt  }
0x52: {  	_ =	shalt  }
0x53: {  	_ =	shalt  }
0x54: {  	_ =	shalt  }
0x55: {  	_ =	shalt  }
0x56: {  	_ =	shalt  }
0x57: {  	_ =	shalt  }
0x58: {  	_ =	shalt  }
0x59: {  	_ =	shalt  }
0x5a: {  	_ =	shalt  }
0x5b: {  	_ =	shalt  }
0x5c: {  	_ =	shalt  }
0x5d: {  	_ =	shalt  }
0x5e: {  	_ =	shalt  }
0x5f: {  	_ =	shalt  }
0x60: {  	_ =	shalt  }
0x61: {  	_ =	shalt  }
0x62: {  	_ =	shalt  }
0x63: {  	_ =	shalt  }
0x64: {  	_ =	shalt  }
0x65: {  	_ =	shalt  }
0x66: {  	_ =	shalt  }
0x67: {  	_ =	shalt  }
0x68: {  	_ =	shalt  }
0x69: {  	_ =	shalt  }
0x6a: {  	_ =	shalt  }
0x6b: {  	_ =	shalt  }
0x6c: {  	_ =	shalt  }
0x6d: {  	_ =	shalt  }
0x6e: {  	_ =	shalt  }
0x6f: {  	_ =	shalt  }
0x70: {  	_ =	shalt  }
0x71: {  	_ =	shalt  }
0x72: {  	_ =	shalt  }
0x73: {  	_ =	shalt  }
0x74: {  	_ =	shalt  }
0x75: {  	_ =	shalt  }
0x76: {  	_ =	shalt  }
0x77: {  	_ =	shalt  }
0x78: {  	_ =	shalt  }
0x79: {  	_ =	shalt  }
0x7a: {  	_ =	shalt  }
0x7b: {  	_ =	shalt  }
0x7c: {  	_ =	shalt  }
0x7d: {  	_ =	shalt  }
0x7e: {  	_ =	shalt  }
0x7f: {  	_ =	shalt  }
0x80: {  	_ =	shalt  }
0x81: {  	_ =	shalt  }
0x82: {  	_ =	shalt  }
0x83: {  	_ =	shalt  }
0x84: {  	_ =	shalt  }
0x85: {  	_ =	shalt  }
0x86: {  	_ =	shalt  }
0x87: {  	_ =	shalt  }
.Lfunc_end0:
.L_simem_size_0:
called_computation.1_lowered:
.L_overlay_start_0:
0x88: {  	s2 =	sld [smem:$0x3FD9]  }
0x89: {  	s3 =	sld [smem:$0x3FFE];
	_ =	sdelay $0x1  }
0x8a: {  	s1 =	srdreg.scid  }
0x8b: {  	s0 =	sand.u32 $0x1, s1  }
0x8c: {  	s17 =	sshll.u32 s0, $0xA;
	s2 =	sadd.s32 s3, s2  }
0x8d: {  	s2 =	sadd.s32 s2, s17  }
0x8e: {  	[smem:$0x3FB9] =	sst s2  }
0x8f: {  	_ = 	snop  }
0x90: {  	(tm) =	ssettm $0x1  }
0x91: {  	s18 =	sld [smem:$0x3FFB];
	_ =	sdelay $0x3  }
0x92: {  	_ =	strace s18  }
0x93: {  	s2 =	sld [smem:$0x3FFC];
	_ =	sdelay $0x3  }
0x94: {  	_ =	strace s2  }
0x95: {  	s2 =	sld [smem:$0x3FFD];
	_ =	sdelay $0x3  }
0x96: {  	_ =	strace s2  }
0x97: {  	_ =	strace $0x8FFFFFFF  }
0x98: {  	s19 =	sld [smem:$0x3FDB];
	_ =	sdelay $0x1  }
0x99: {  	s20 =	simm.s32 $_scs_section_size  }
0x9a: {  	s4 =	simm.s32 $_size__tile_overlayer_lowered;
	s5 =	simm.s32 $_tile_overlayer_lowered  }
0x9b: {  	s6 =	simm.s32 $0x1BFF;
	s21 =	sshll.u32 s5, $0x1;
	s3 =	sadd.s32 s20, s19  }
0x9c: {  	s22 =	simm.s32 $0x0;
	s4 =	sshll.u32 s4, $0x1;
	s5 =	sadd.s32 s21, s3  }
0x9d: {  	[timem:s22], [sflag:s6] =	dma.local [hbm:s5], s4  }
0x9e: {  	_ =	swait.ge [sflag:s6], s4  }
0x9f: {  	s4 =	ssub.s32 $0x0, s4;
	[sflag:s6] =	ssyncset.done $0x0  }
0xa0: {  	[sflag:s6] =	ssyncadd.s32 s4;
	_ =	sdelay $0x1  }
0xa1: {  	s23 =	simm.s32 $0x1B8B  }
0xa2: {  	_ =	swait.ge [sflag:s23], $0x1  }
0xa3: {  	[sflag:s23] =	ssyncset.done $0x0  }
0xa4: {  	[sflag:s23] =	ssyncadd.s32 $0xFFFFFFFF  }
0xa5: {  	s4 =	sld [smem:$0x0]  }
0xa6: {  	s5 =	sand.u32 $0xFFFFFFFE, s1  }
0xa7: {  	p0 =	sne.s32 s1, s5  }
0xa8: {  	s5 =	sshll.u32 @p0 s5, $0xE  }
0xa9: {  	s5 =	sadd.s32 @p0 $0x11B8D, s5;
	s6 =	sshll.u32 @p0 s4, $0x11  }
0xaa: {  	s5 =	sor.u32 @p0 s6, s5  }
0xab: {  	[sflag:s5] =	ssyncadd.remote.s32 @p0 $0x1;
	_ =	sdelay $0x1  }
0xac: {  	s5 =	simm.s32 @p0 $0x1B8D  }
0xad: {  	_ =	swait.eq @p0 [sflag:s5], $0x1  }
0xae: {  	[sflag:s5] =	ssyncadd.s32 @p0 $0xFFFFFFFF  }
0xaf: {  	s6 =	sshll.u32 @!p0 s1, $0xE  }
0xb0: {  	s6 =	sor.u32 @!p0 $0x4000, s6;
	s5 =	simm.s32 @!p0 $0x1B8D  }
0xb1: {  	s4 =	sshll.u32 @!p0 s4, $0x11;
	s6 =	sadd.s32 @!p0 $0x11B8D, s6;
	_ =	swait.eq @!p0 [sflag:s5], $0x1  }
0xb2: {  	s4 =	sor.u32 @!p0 s4, s6;
	[sflag:s5] =	ssyncadd.s32 @!p0 $0xFFFFFFFF  }
0xb3: {  	s25 =	simm.s32 $0x1B8E;
	s24 =	sld [smem:$0x3FFE];
	[sflag:s4] =	ssyncadd.remote.s32 @!p0 $0x1  }
0xb4: {  	s26 =	simm.s32 $execute0_lowered;
	[smem:$0x3FD2] =	sst s25  }
0xb5: {  	s5 =	sshll.u32 s26, $0x1;
	_ =	strace $0x80000049;
	[dreg:$0x1] =	wrdreg $0xFFFFFFFF  }
0xb6: {  	s28 =	simm.s32 $_size_execute0_lowered;
	s3 =	sadd.s32 s3, s5;
	[dreg:$0x0] =	wrdreg $0x0  }
0xb7: {  	s5 =	sshll.u32 s28, $0x1;
	[dreg:$0x2] =	wrdreg s3  }
0xb8: {  	[dreg:$0x3] =	wrdreg s5  }
0xb9: {  	[dreg:$0x4] =	wrdreg $0xC0  }
0xba: {  	_ =	task [dreg:s22], $0x5FFFF  }
0xbb: {  	[dreg:$0x1] =	wrdreg $0xFFFFFFFF  }
0xbc: {  	[dreg:$0x0] =	wrdreg $0x60  }
0xbd: {  	[dreg:$0x2] =	wrdreg s24  }
0xbe: {  	[dreg:$0x3] =	wrdreg $0xA  }
0xbf: {  	_ =	task.clear_ibuf [dreg:s22], $0x4FFFF;
	_ =	strace $0x90000049  }
0xc0: {  	s29 =	simm.s32 $0xA;
	_ =	strace $0x8000004B  }
0xc1: {  	_ =	swait.ge [sflag:s29], $0x1  }
0xc2: {  	[sflag:s29] =	ssyncadd.s32 $0xFFFFFFFF  }
0xc3: {  	_ =	strace $0x9000004B  }
0xc4: {  	_ =	sfence  }
0xc5: {  	s30 =	sld [smem:$0x0];
	_ =	sdelay $0x2  }
0xc6: {  	s31 =	sshll.u32 s1, $0xD;
	s1 =	sshrl.u32 s1, $0x2  }
0xc7: {  	s4 =	sand.u32 $0x4000, s31;
	s1 =	sadd.s32 s1, s30  }
0xc8: {  	s0 =	sor.u32 s4, s0;
	s1 =	sshll.u32 s1, $0x11  }
0xc9: {  	s0 =	sor.u32 s1, s0  }
0xca: {  	s0 =	sadd.s32 $0x8F2B, s0  }
0xcb: {  	[sflag:s0] =	ssyncadd.remote.s32 $0x1  }
0xcc: {  	_ =	sfence.sel $0xFFFF  }
0xcd: {  	[dreg:$0x0] =	wrdreg $0xFFFFFFFF;
	(pc) =	sbr.abs _section_cstart, $3  }
0xce: {  	[dreg:$0x1] =	wrdreg $0xFFFFFFFF  }
0xcf: {  	_ =	task.clear_ibuf [dreg:s22], $0x2FFFF;
	_ =	strace $0x9FFFFFFF  }
0xd0: {  	(tm) =	ssettm $0x7FFFFFFF  }
0xd1: {  	_ =	shalt  }
tec
execute0_lowered:
.L_overlay_start_1:
0x0: {  	(tag) =	ssettag $0x1  }
0x1: {  	s1 =	srdreg.scid;
	s0 =	stileid.u32  }
0x2: {  	s4 =	rddreg [dreg:$0x0];
	s2 =	simm.s32 $0x0;
	s10 =	simm.s32 $0x2C00  }
0x3: {  	s11 =	simm.s32 $0x1;
	s12 =	simm.s32 $0x2;
	s13 =	simm.s32 $0x3  }
0x4: {  	s14 =	simm.s32 $0x4;
	s3 =	sand.u32 $0x1, s1;
	s1 =	rddreg [dreg:$0x1]  }
0x5: {  	s15 =	simm.s32 $0x0;
	s31 =	sshll.u32 s0, $0x1;
	[smem:$0x7FF] =	sst s2  }
0x6: {  	s6 =	smul.u32 $0xE000, s0;
	s5 =	sor.u32 s3, s31;
	_ =	strace $0x8000004A  }
0x7: {  	s7 =	ssub.s32 $0x2, s3;
	s8 =	smul.u32 $0x7000, s3;
	s3 =	sadd.s32 $0x9800, s4  }
0x8: {  	s5 =	smul.u32 $0x380, s5;
	s6 =	sadd.s32 s6, s4;
	s9 =	sshrl.u32 s7, $0x1  }
0x9: {  	s7 =	ssub.s32 s7, s9;
	s6 =	sadd.s32 s8, s6;
	s8 =	simm.s32 $0x80  }
0xa: {  	s9 =	simm.s32 $0x1C00;
	s5 =	sadd.s32 s5, s4;
	s6 =	sadd.s32 $0xF4BC00, s6  }
0xb: {  	s4 =	sadd.s32 $0x2800, s5;
	s5 =	smax.u32 s7, $0x1;
	s7 =	simm.s32 $0x5  }
.LBB2_1:
0xc: {  	[tilespmem:s2], [sflag:$0x5] =	stream.linear.gather [hbm4b:s4+s2], $0x1C00, $0x38;
	[tilespmem:$0x3C00] =	vst v63  }
0xd: {  	_ =	swait.ge [sflag:s7], $0x1C00  }
0xe: {  	[sflag:s7] =	ssyncset.done $0x0  }
0xf: {  	s16 =	simm.s32 $0x0;
	[sflag:s7] =	ssyncadd.s32 $0xFFFFE400  }
0x10: {  	[tilespmem:s9], [sflag:$0x1] =	stream.indirect.gather [hbm4b:s3+s8], $0x20, s16, s8, $0xb8;
	[tilespmem:$0x3C00] =	vst v63  }
0x11: {  	s30 =	simm.s32 $0x80  }
0x12: {  	[tilespmem:s10], [sflag:$0x2] =	stream.indirect.gather [hbm4b:s3+s8], $0x20, s30, s8, $0xb8;
	[tilespmem:$0x3C00] =	vst v63  }
0x13: {  	_ =	swait.ge [sflag:s11], $0x1000  }
0x14: {  	[sflag:s11] =	ssyncset.done $0x0  }
0x15: {  	s31 =	sadd.s32 $0x0, s6;
	[sflag:s11] =	ssyncadd.s32 $0xFFFFF000  }
0x16: {  	[hbm4b:s31+s2] =	stream.linear.scatter [tilespmem:s9], [sflag:$0x3], $0x1000, $0x38;
	[tilespmem:$0x3C00] =	vst v63  }
0x17: {  	_ =	swait.ge [sflag:s12], $0x1000  }
0x18: {  	[sflag:s12] =	ssyncset.done $0x0  }
0x19: {  	s16 =	sadd.s32 $0x200, s31;
	[sflag:s12] =	ssyncadd.s32 $0xFFFFF000  }
0x1a: {  	[hbm4b:s16+s2] =	stream.linear.scatter [tilespmem:s10], [sflag:$0x4], $0x1000, $0x38;
	[tilespmem:$0x3C00] =	vst v63  }
0x1b: {  	_ =	swait.ge [sflag:s13], $0x1000  }
0x1c: {  	[sflag:s13] =	ssyncset.done $0x0  }
0x1d: {  	[sflag:s13] =	ssyncadd.s32 $0xFFFFF000  }
0x1e: {  	_ =	swait.ge [sflag:s14], $0x1000  }
0x1f: {  	s17 =	simm.s32 $0x800;
	s16 =	simm.s32 $0x400;
	[sflag:s14] =	ssyncset.done $0x0  }
.LBB2_2:
0x20: {  	s18 =	sshra.s32 s16, $0x2  }
0x21: {  	[sflag:s14] =	ssyncadd.s32 $0xFFFFF000;
	s19 =	smov.u32 s17;
	s20 =	sadd.s32 $0x400, s17  }
0x22: {  	[tilespmem:s9], [sflag:$0x1] =	stream.indirect.gather [hbm4b:s3+s8], $0x20, s18, s8, $0xb8;
	[tilespmem:$0x3C00] =	vst v63  }
0x23: {  	p0 =	sne.s32 s17, $0x6C00;
	s17 =	sadd.s32 $0x80, s18  }
0x24: {  	[tilespmem:s10], [sflag:$0x2] =	stream.indirect.gather [hbm4b:s3+s8], $0x20, s17, s8, $0xb8;
	[tilespmem:$0x3C00] =	vst v63  }
0x25: {  	_ =	swait.ge [sflag:s11], $0x1000  }
0x26: {  	[sflag:s11] =	ssyncset.done $0x0  }
0x27: {  	s17 =	sadd.s32 s16, s6;
	s16 =	smov.u32 s19;
	[sflag:s11] =	ssyncadd.s32 $0xFFFFF000  }
0x28: {  	[hbm4b:s17+s2] =	stream.linear.scatter [tilespmem:s9], [sflag:$0x3], $0x1000, $0x38;
	[tilespmem:$0x3C00] =	vst v63  }
0x29: {  	_ =	swait.ge [sflag:s12], $0x1000  }
0x2a: {  	[sflag:s12] =	ssyncset.done $0x0  }
0x2b: {  	s17 =	sadd.s32 $0x200, s17;
	[sflag:s12] =	ssyncadd.s32 $0xFFFFF000  }
0x2c: {  	[hbm4b:s17+s2] =	stream.linear.scatter [tilespmem:s10], [sflag:$0x4], $0x1000, $0x38;
	[tilespmem:$0x3C00] =	vst v63  }
.Ltmp0:
0x2d: {  	_ =	swait.ge [sflag:s13], $0x1000;
	(pc) =	sbr.rel @p0 .LBB2_2-.Ltmp0, $4  }
0x2e: {  	[sflag:s13] =	ssyncset.done $0x0  }
0x2f: {  	[sflag:s13] =	ssyncadd.s32 $0xFFFFF000  }
0x30: {  	_ =	swait.ge [sflag:s14], $0x1000  }
0x31: {  	s17 =	smov.u32 s20;
	[sflag:s14] =	ssyncset.done $0x0  }
0x32: {  	s17 =	sshra.s32 s16, $0x2;
	[sflag:s14] =	ssyncadd.s32 $0xFFFFF000  }
0x33: {  	[tilespmem:s9], [sflag:$0x1] =	stream.indirect.gather [hbm4b:s3+s8], $0x20, s17, s8, $0xb8;
	[tilespmem:$0x3C00] =	vst v63  }
0x34: {  	s17 =	sadd.s32 $0x80, s17  }
0x35: {  	[tilespmem:s10], [sflag:$0x2] =	stream.indirect.gather [hbm4b:s3+s8], $0x20, s17, s8, $0xb8;
	[tilespmem:$0x3C00] =	vst v63  }
0x36: {  	_ =	swait.ge [sflag:s11], $0x1000  }
0x37: {  	[sflag:s11] =	ssyncset.done $0x0  }
0x38: {  	s31 =	sadd.s32 s16, s6;
	[sflag:s11] =	ssyncadd.s32 $0xFFFFF000  }
0x39: {  	[hbm4b:s31+s2] =	stream.linear.scatter [tilespmem:s9], [sflag:$0x3], $0x1000, $0x38;
	[tilespmem:$0x3C00] =	vst v63  }
0x3a: {  	_ =	swait.ge [sflag:s12], $0x1000  }
0x3b: {  	[sflag:s12] =	ssyncset.done $0x0  }
0x3c: {  	s15 =	sadd.s32 $0x1, s15;
	s16 =	sadd.s32 $0x200, s31;
	[sflag:s12] =	ssyncadd.s32 $0xFFFFF000  }
0x3d: {  	[hbm4b:s16+s2] =	stream.linear.scatter [tilespmem:s10], [sflag:$0x4], $0x1000, $0x38;
	[tilespmem:$0x3C00] =	vst v63  }
0x3e: {  	p0 =	sne.s32 s15, s5;
	_ =	swait.ge [sflag:s13], $0x1000  }
.Ltmp1:
0x3f: {  	[sflag:s13] =	ssyncset.done $0x0;
	(pc) =	sbr.rel @p0 .LBB2_1-.Ltmp1, $4  }
0x40: {  	[sflag:s13] =	ssyncadd.s32 $0xFFFFF000  }
0x41: {  	_ =	swait.ge [sflag:s14], $0x1000  }
0x42: {  	[sflag:s14] =	ssyncset.done $0x0  }
0x43: {  	[sflag:s14] =	ssyncadd.s32 $0xFFFFF000  }
0x44: {  	_ =	sfence.sel $0x180000  }
0x45: {  	[bflag:$0x0] =	sbarrier.arrive $0xFFFF  }
0x46: {  	p0 =	sne.s32 s0, $0x0;
	_ =	strace $0x9000004A  }
0x47: {  	s0 =	sadd.s32 @!p0 $0x100000, s1;
	[bflag:$0x2] =	sbarrier.arrive $0xFFFF  }
0x48: {  	[sflag:s0] =	ssyncadd.tile.s32 @!p0 $0x1;
	_ =	shalt  }
.Lfunc_end2:
_tile_overlayer_lowered:
.L_overlay_start_2:
0x49: {  	(tag) =	ssettag $0x2  }
0x4a: {  	s0 =	rddreg [dreg:$0x0];
	s2 =	stileid.u32  }
0x4b: {  	s1 =	rddreg [dreg:$0x1];
	p0 =	sne.s32 s2, $0x0  }
0x4c: {  	s3 =	rddreg [dreg:$0x2];
	[bflag:$0x3] =	sbarrier.arrive $0xFFFF;
	s2 =	simm.s32 @!p0 $0x1C05  }
0x4d: {  	[timem:s3], [sflag:s2] =	dma.local @!p0 [hbm:s0], s1  }
0x4e: {  	s0 =	simm.s32 @!p0 $0x5  }
0x4f: {  	_ =	swait.ge @!p0 [sflag:s0], s1  }
0x50: {  	s1 =	ssub.s32 @!p0 $0x0, s1;
	[sflag:s0] =	ssyncset.done @!p0 $0x0  }
0x51: {  	[sflag:s0] =	ssyncadd.s32 @!p0 s1  }
0x52: {  	[bflag:$0x3] =	sbarrier.arrive $0xFFFF  }
0x53: {  	_ =	shalt  }

</sc_bundles>
